<compile_context>
chip_gen: v7x
topology: tpu7x:2x2x1
jax: 0.10.2.dev20260603
libtpu: 0.0.44.dev20260713+nightly
codegen_flags: <defaults>
</compile_context>

<pallas_src>
import functools

import jax
import jax.numpy as jnp
from jax import lax
from jax.experimental import pallas as pl
from jax.experimental.pallas import tpu as pltpu
from jax.experimental.pallas import tpu_sc as plsc

_B = 32
_H = 64
_W = 64
_N = _H * _W
_E = 2 * _N
_EREAL = _E - 2 * _W


def _edge_sort_body(x_ref, w_ref, eid_ref, key_ref, pay_ref):
    x = x_ref[...]
    colp = lax.broadcasted_iota(jnp.int32, (_B, _N), 1)
    inf = jnp.float32(jnp.inf)
    wh = jnp.where(colp % _W < _W - 1,
                   jnp.maximum(x, pltpu.roll(x, _N - 1, 1)), inf)
    wv = jnp.where(colp < _N - _W,
                   jnp.maximum(x, pltpu.roll(x, _N - _W, 1)), inf)
    key_ref[...] = jnp.concatenate([wh, wv], axis=1)
    iota = lax.broadcasted_iota(jnp.int32, (_B, _E), 1)
    pay_ref[...] = iota

    def stage(s, carry):
        k = jnp.int32(1) << s

        def cex(t, carry2):
            j = k >> (t + 1)
            key = key_ref[...]
            pay = pay_ref[...]
            low = (iota & j) == 0
            asc = (iota & k) == 0
            keep_small = jnp.logical_not(jnp.logical_xor(low, asc))
            sh_neg = jnp.int32(_E) - j
            pkey = jnp.where(low, pltpu.roll(key, sh_neg, 1),
                             pltpu.roll(key, j, 1))
            ppay = jnp.where(low, pltpu.roll(pay, sh_neg, 1),
                             pltpu.roll(pay, j, 1))
            swap = (keep_small & (key > pkey)) | (
                jnp.logical_not(keep_small) & (key < pkey))
            key_ref[...] = jnp.where(swap, pkey, key)
            pay_ref[...] = jnp.where(swap, ppay, pay)
            return carry2

        return lax.fori_loop(0, s, cex, carry)

    lax.fori_loop(1, 14, stage, jnp.int32(0))
    w_ref[...] = key_ref[...]
    eid_ref[...] = pay_ref[...]


def _edge_sort_tc(flat):
    return pl.pallas_call(
        _edge_sort_body,
        out_shape=(
            jax.ShapeDtypeStruct((_B, _E), jnp.float32),
            jax.ShapeDtypeStruct((_B, _E), jnp.int32),
        ),
        scratch_shapes=[
            pltpu.VMEM((_B, _E), jnp.float32),
            pltpu.VMEM((_B, _E), jnp.int32),
        ],
    )(flat)


def _uf_contrib(flat, w_sorted, eid_sorted):
    mesh = plsc.VectorSubcoreMesh(core_axis_name="c", subcore_axis_name="s")

    _NP = _N + 16
    _EP = _E + 16

    @functools.partial(
        pl.kernel,
        mesh=mesh,
        out_type=jax.ShapeDtypeStruct((_B, 16), jnp.float32),
        compiler_params=pltpu.CompilerParams(needs_layout_passes=False),
        scratch_types=[
            pltpu.VMEM((_NP,), jnp.float32),
            pltpu.VMEM((_EP,), jnp.float32),
            pltpu.VMEM((_EP,), jnp.int32),
            pltpu.VMEM((_NP,), jnp.int32),
            pltpu.VMEM((_NP,), jnp.float32),
            pltpu.VMEM((32,), jnp.int32),
            pltpu.VMEM((32,), jnp.int32),
            pltpu.VMEM((32,), jnp.float32),
            pltpu.VMEM((16,), jnp.float32),
        ],
    )
    def uf(vals_hbm, w_hbm, eid_hbm, out_hbm, vals_v, w_v, eid_v, parent_v,
           len_v, cru_v, crv_v, cw_v, row_v):
        b = lax.axis_index("s") * 2 + lax.axis_index("c")
        pltpu.sync_copy(vals_hbm.at[b], vals_v.at[pl.ds(0, _N)])
        pltpu.sync_copy(w_hbm.at[b], w_v.at[pl.ds(0, _E)])
        pltpu.sync_copy(eid_hbm.at[b], eid_v.at[pl.ds(0, _E)])

        lane = lax.iota(jnp.int32, 16)
        lane0 = lane == 0
        zeros16 = jnp.zeros((16,), jnp.float32)

        def sload(ref, i):
            return ref[pl.ds(i, 16)][0]

        def sstore(ref, i, v):
            plsc.store_scatter(ref, [jnp.full((16,), i, jnp.int32)],
                               jnp.full((16,), v), mask=lane0)

        def init_body(i, carry):
            parent_v[pl.ds(i * 16, 16)] = lane + i * 16
            len_v[pl.ds(i * 16, 16)] = zeros16
            return carry

        lax.fori_loop(0, _NP // 16, init_body, jnp.int32(0))

        def find(i):
            return lax.while_loop(lambda r: sload(parent_v, r) != r,
                                  lambda r: sload(parent_v, r), i)

        def vfind(r0):
            pr0 = plsc.load_gather(parent_v, [r0])

            def vcond(carry):
                r, pr = carry
                return plsc.all_reduce_population_count(pr != r)[0] > 0

            def vbody(carry):
                r, pr = carry
                r2 = jnp.where(pr != r, pr, r)
                return (r2, plsc.load_gather(parent_v, [r2]))

            r, _ = lax.while_loop(vcond, vbody, (r0, pr0))
            return r

        def chunk(i, cnt):
            wvec = w_v[pl.ds(i * 16, 16)]
            evec = eid_v[pl.ds(i * 16, 16)]
            uvec = evec & (_N - 1)
            vvec = uvec + jnp.where(evec >= _N, _W, 1)
            ruv = vfind(uvec)
            rvv = vfind(vvec)
            plsc.store_scatter(parent_v, [uvec], ruv)
            plsc.store_scatter(parent_v, [vvec], rvv)
            candm = ruv != rvv
            ncand = plsc.all_reduce_population_count(candm)[0]

            def have_cands(cnt):
                cru_v[pl.ds(0, 16)] = ruv
                crv_v[pl.ds(0, 16)] = rvv
                cw_v[pl.ds(0, 16)] = wvec

                def pcond(carry):
                    mask, cnt = carry
                    return plsc.all_reduce_population_count(mask)[0] > 0

                def pbody(carry):
                    mask, cnt = carry
                    d = plsc.all_reduce_ffs(mask)[0]
                    ru = find(sload(cru_v, d))
                    rv = find(sload(crv_v, d))

                    def merge_fn(cnt):
                        vru = sload(vals_v, ru)
                        vrv = sload(vals_v, rv)
                        ru_elder = (vru < vrv) | ((vru == vrv) & (ru < rv))
                        young = jnp.where(ru_elder, rv, ru)
                        elder = jnp.where(ru_elder, ru, rv)
                        sstore(parent_v, young, elder)
                        sstore(len_v, cnt,
                               sload(cw_v, d) - jnp.maximum(vru, vrv))
                        return cnt + 1

                    cnt = lax.cond(ru != rv, merge_fn, lambda c: c, cnt)
                    cs = lax.cumsum(mask.astype(jnp.int32))
                    return (mask & (cs != 1), cnt)

                _, cnt = lax.while_loop(pcond, pbody, (candm, cnt))
                return cnt

            return lax.cond(ncand > 0, have_cands, lambda c: c, cnt)

        lax.fori_loop(0, _EREAL // 16, chunk, jnp.int32(0))

        def topk_body(i, top):
            chunk16 = len_v[pl.ds(i * 16, 16)]
            cdesc = lax.rev(lax.sort(chunk16), (0,))
            return lax.sort(jnp.maximum(top, cdesc))

        top = lax.fori_loop(0, _NP // 16, topk_body,
                            jnp.zeros((16,), jnp.float32))

        sq = top * top
        contrib = jnp.where(lane == 15, 1.0 - sq,
                            jnp.where(lane >= 6, sq, zeros16))
        row_v[...] = contrib
        pltpu.sync_copy(row_v, out_hbm.at[b])

    return uf(flat, w_sorted, eid_sorted)


def kernel(data):
    assert data.shape == (_B, _H, _W), "check the shape!"
    flat = data.reshape(_B, _N)
    w_sorted, eid_sorted = _edge_sort_tc(flat)
    contrib = _uf_contrib(flat, w_sorted, eid_sorted)
    return jnp.sum(contrib)

# --- scband reference (transcript-rebuilt; emitter-appended) ---
"""Pipeline reference for scband-top-loss2-d-7962869366847 (READ-ONLY COPY).

The authoritative reference and input builder live on the scoring server;
editing this copy changes nothing except your own understanding.
"""

import jax, jax.numpy as jnp
import numpy as np

SIZE = (64, 64)
EXPECTED = 1


def _sublevel_h0_pairs(img):
    # 0-dim sublevel persistence via union-find (elder rule), 4-connectivity.
    # By duality these finite (min, saddle) pairs correspond to the H1 bars of
    # the superlevel filtration used by LevelSetLayer2D(sublevel=False).
    H, W = img.shape
    N = H * W
    vals = img.ravel()
    order = np.argsort(vals, kind='stable')
    rank = np.empty(N, dtype=np.int64)
    rank[order] = np.arange(N)
    parent = np.full(N, -1, dtype=np.int64)
    pairs = []

    def find(i):
        r = i
        while parent[r] != r:
            r = parent[r]
        while parent[i] != r:
            parent[i], i = r, parent[i]
        return r

    for p in order:
        p = int(p)
        parent[p] = p
        r0, c0 = divmod(p, W)
        for dr, dc in ((1, 0), (-1, 0), (0, 1), (0, -1)):
            r1, c1 = r0 + dr, c0 + dc
            if r1 < 0 or r1 >= H or c1 < 0 or c1 >= W:
                continue
            q = r1 * W + c1
            if parent[q] == -1:
                continue
            rp = find(p)
            rq = find(q)
            if rp == rq:
                continue
            if rank[rp] < rank[rq]:
                elder, young = rp, rq
            else:
                elder, young = rq, rp
            pairs.append((young, p))  # (birth pixel = local-min root, death pixel = saddle)
            parent[young] = elder
    return pairs


def _batch_pairs(data_np):
    B = data_np.shape[0]
    plist = [_sublevel_h0_pairs(data_np[b]) for b in range(B)]
    K = max(10, max(len(p) for p in plist))
    bi = np.zeros((B, K), np.int64)
    di = np.zeros((B, K), np.int64)
    vm = np.zeros((B, K), np.float32)
    for b, p in enumerate(plist):
        for j, (yb, dp) in enumerate(p):
            bi[b, j] = yb
            di[b, j] = dp
            vm[b, j] = 1.0
    return bi, di, vm


def setup_inputs(seed: int = 0) -> dict:
    key = jax.random.key(seed)
    data = jax.random.uniform(key, (32, SIZE[0], SIZE[1]), dtype=jnp.float32)
    return {"data": data}


def reference(data):
    assert data.shape[-2:] == SIZE, 'check the shape!'
    # Pairing indices are combinatorial (piecewise-constant in the input); the
    # elder-rule union-find is expressed in-trace with fixed shapes: merge events
    # are bounded by 4*H*W, so bar lengths live in a zero-padded fixed buffer
    # that matches the original vm-masked, K-padded lengths after sorting.
    H, W = SIZE
    N = H * W
    B = data.shape[0]
    flat = data.reshape(B, -1)

    def per_image(vals):
        order = jnp.argsort(vals, stable=True)
        rank = jnp.zeros(N, jnp.int32).at[order].set(jnp.arange(N, dtype=jnp.int32))

        def find(parent, i):
            return jax.lax.while_loop(lambda r: parent[r] != r, lambda r: parent[r], i)

        def step(t, carry):
            parent, lengths = carry
            p = order[t]
            parent = parent.at[p].set(p)
            r0, c0 = p // W, p % W
            for d, (dr, dc) in enumerate(((1, 0), (-1, 0), (0, 1), (0, -1))):
                r1, c1 = r0 + dr, c0 + dc
                valid = (r1 >= 0) & (r1 < H) & (c1 >= 0) & (c1 < W)
                q = jnp.where(valid, r1 * W + c1, p)
                active = valid & (parent[q] != -1)
                rp = find(parent, p)
                parent = parent.at[p].set(rp)
                rq = find(parent, jnp.where(active, q, p))
                parent = parent.at[q].set(jnp.where(active, rq, parent[q]))
                merge = active & (rp != rq)
                young = jnp.where(rank[rp] < rank[rq], rq, rp)
                elder = jnp.where(rank[rp] < rank[rq], rp, rq)
                # superlevel H1 bar length = birth_sup - death_sup = saddle - min
                lengths = lengths.at[4 * t + d].set(
                    jnp.where(merge, vals[p] - vals[young], jnp.float32(0.0)))
                parent = parent.at[young].set(jnp.where(merge, elder, parent[young]))
            return parent, lengths

        parent0 = jnp.full(N, -1, jnp.int32)
        lengths0 = jnp.zeros(4 * N, vals.dtype)
        _, lengths = jax.lax.fori_loop(0, N, step, (parent0, lengths0))
        return lengths

    lengths = jax.vmap(per_image)(flat)
    lengths = jnp.nan_to_num(lengths)  # lengths[lengths != lengths] = 0
    sortl = -jnp.sort(-lengths, axis=1)  # descending sort
    L0 = jnp.sum(1.0 - sortl[:, :EXPECTED] ** 2, axis=1)
    L01 = jnp.sum(sortl[:, EXPECTED:10] ** 2, axis=1)
    return jnp.sum(L0 + L01)

if __name__ == "__main__":
    import jax
    _d = setup_inputs()
    print(jax.jit(kernel)(*tuple(_d.values())))

</pallas_src>

<mosaic_0001>
#map = affine_map<(d0, d1) -> (0, 0)>
module attributes {stable_mosaic.version = 14 : i64} {
  func.func @uf(%arg0: i32, %arg1: i32, %arg2: memref<32x4096xf32, #tpu.memory_space<hbm>>, %arg3: memref<32x8192xf32, #tpu.memory_space<hbm>>, %arg4: memref<32x8192xi32, #tpu.memory_space<hbm>>, %arg5: memref<32x16xf32, #tpu.memory_space<hbm>>, %arg6: memref<4112xf32, #tpu.memory_space<vmem>>, %arg7: memref<8208xf32, #tpu.memory_space<vmem>>, %arg8: memref<8208xi32, #tpu.memory_space<vmem>>, %arg9: memref<4112xi32, #tpu.memory_space<vmem>>, %arg10: memref<4112xf32, #tpu.memory_space<vmem>>, %arg11: memref<32xi32, #tpu.memory_space<vmem>>, %arg12: memref<32xi32, #tpu.memory_space<vmem>>, %arg13: memref<32xf32, #tpu.memory_space<vmem>>, %arg14: memref<16xf32, #tpu.memory_space<vmem>>) attributes {dimension_semantics = [#tpu.dimension_semantics<core_parallel>, #tpu.dimension_semantics<subcore_parallel>], iteration_bounds = array<i64: 2, 16>, scalar_prefetch = 0 : i64, scratch_operands = 9 : i64, tpu.core_type = #tpu.core_type<sc_vector_subcore>, window_params = [{transform_indices = #map}, {transform_indices = #map}, {transform_indices = #map}, {transform_indices = #map}]} {
    %mul3A = arith.constant 2 : i32
    %mul3A_0 = arith.muli %arg1, %mul3A : i32
    %add3A = arith.addi %mul3A_0, %arg0 : i32
    "tpu.region"() ({
      %run_scoped3A = tpu.sem_alloc : memref<!tpu.dma_semaphore, #tpu.memory_space<semaphore_mem>>
      %dma_start3A = arith.constant 0 : i32
      %dma_start3A_34 = tpu.memref_slice %arg6[%dma_start3A] : memref<4112xf32, #tpu.memory_space<vmem>> -> memref<4096xf32, #tpu.memory_space<vmem>>
      %dma_start3A_35 = arith.constant 0 : i32
      %dma_start3A_36 = tpu.memref_slice %arg2[%add3A, %dma_start3A_35] : memref<32x4096xf32, #tpu.memory_space<hbm>> -> memref<1x4096xf32, #tpu.memory_space<hbm>>
      %dma_start3A_37 = tpu.memref_squeeze %dma_start3A_36 : memref<1x4096xf32, #tpu.memory_space<hbm>> -> memref<4096xf32, #tpu.memory_space<hbm>>
      %dma_start3A_38 = arith.constant 0 : i32
      %dma_start3A_39 = tpu.memref_slice %arg6[%dma_start3A_38] : memref<4112xf32, #tpu.memory_space<vmem>> -> memref<4096xf32, #tpu.memory_space<vmem>>
      %dma_start3A_40 = arith.constant 0 : i32
      %dma_start3A_41 = tpu.memref_slice %arg2[%add3A, %dma_start3A_40] : memref<32x4096xf32, #tpu.memory_space<hbm>> -> memref<1x4096xf32, #tpu.memory_space<hbm>>
      %dma_start3A_42 = tpu.memref_squeeze %dma_start3A_41 : memref<1x4096xf32, #tpu.memory_space<hbm>> -> memref<4096xf32, #tpu.memory_space<hbm>>
      tpu.enqueue_dma source(%dma_start3A_42 : memref<4096xf32, #tpu.memory_space<hbm>>) target(%dma_start3A_39 : memref<4096xf32, #tpu.memory_space<vmem>>) target_semaphore(%run_scoped3A : memref<!tpu.dma_semaphore, #tpu.memory_space<semaphore_mem>>)
      %dma_wait3A = arith.constant 0 : i32
      %dma_wait3A_43 = tpu.memref_slice %arg6[%dma_wait3A] : memref<4112xf32, #tpu.memory_space<vmem>> -> memref<4096xf32, #tpu.memory_space<vmem>>
      %dma_wait3A_44 = arith.constant 0 : i32
      %dma_wait3A_45 = tpu.memref_slice %arg2[%add3A, %dma_wait3A_44] : memref<32x4096xf32, #tpu.memory_space<hbm>> -> memref<1x4096xf32, #tpu.memory_space<hbm>>
      %dma_wait3A_46 = tpu.memref_squeeze %dma_wait3A_45 : memref<1x4096xf32, #tpu.memory_space<hbm>> -> memref<4096xf32, #tpu.memory_space<hbm>>
      %dma_wait3A_47 = arith.constant 0 : i32
      %dma_wait3A_48 = tpu.memref_slice %arg6[%dma_wait3A_47] : memref<4112xf32, #tpu.memory_space<vmem>> -> memref<4096xf32, #tpu.memory_space<vmem>>
      %dma_wait3A_49 = arith.constant 0 : i32
      %dma_wait3A_50 = tpu.memref_slice %arg2[%add3A, %dma_wait3A_49] : memref<32x4096xf32, #tpu.memory_space<hbm>> -> memref<1x4096xf32, #tpu.memory_space<hbm>>
      %dma_wait3A_51 = tpu.memref_squeeze %dma_wait3A_50 : memref<1x4096xf32, #tpu.memory_space<hbm>> -> memref<4096xf32, #tpu.memory_space<hbm>>
      tpu.wait_dma2 semaphore(%run_scoped3A : memref<!tpu.dma_semaphore, #tpu.memory_space<semaphore_mem>>) src(%dma_wait3A_51 : memref<4096xf32, #tpu.memory_space<hbm>>) dst(%dma_wait3A_48 : memref<4096xf32, #tpu.memory_space<vmem>>)
      tpu.yield
    }) : () -> ()
    "tpu.region"() ({
      %run_scoped3A = tpu.sem_alloc : memref<!tpu.dma_semaphore, #tpu.memory_space<semaphore_mem>>
      %dma_start3A = arith.constant 0 : i32
      %dma_start3A_34 = tpu.memref_slice %arg7[%dma_start3A] : memref<8208xf32, #tpu.memory_space<vmem>> -> memref<8192xf32, #tpu.memory_space<vmem>>
      %dma_start3A_35 = arith.constant 0 : i32
      %dma_start3A_36 = tpu.memref_slice %arg3[%add3A, %dma_start3A_35] : memref<32x8192xf32, #tpu.memory_space<hbm>> -> memref<1x8192xf32, #tpu.memory_space<hbm>>
      %dma_start3A_37 = tpu.memref_squeeze %dma_start3A_36 : memref<1x8192xf32, #tpu.memory_space<hbm>> -> memref<8192xf32, #tpu.memory_space<hbm>>
      %dma_start3A_38 = arith.constant 0 : i32
      %dma_start3A_39 = tpu.memref_slice %arg7[%dma_start3A_38] : memref<8208xf32, #tpu.memory_space<vmem>> -> memref<8192xf32, #tpu.memory_space<vmem>>
      %dma_start3A_40 = arith.constant 0 : i32
      %dma_start3A_41 = tpu.memref_slice %arg3[%add3A, %dma_start3A_40] : memref<32x8192xf32, #tpu.memory_space<hbm>> -> memref<1x8192xf32, #tpu.memory_space<hbm>>
      %dma_start3A_42 = tpu.memref_squeeze %dma_start3A_41 : memref<1x8192xf32, #tpu.memory_space<hbm>> -> memref<8192xf32, #tpu.memory_space<hbm>>
      tpu.enqueue_dma source(%dma_start3A_42 : memref<8192xf32, #tpu.memory_space<hbm>>) target(%dma_start3A_39 : memref<8192xf32, #tpu.memory_space<vmem>>) target_semaphore(%run_scoped3A : memref<!tpu.dma_semaphore, #tpu.memory_space<semaphore_mem>>)
      %dma_wait3A = arith.constant 0 : i32
      %dma_wait3A_43 = tpu.memref_slice %arg7[%dma_wait3A] : memref<8208xf32, #tpu.memory_space<vmem>> -> memref<8192xf32, #tpu.memory_space<vmem>>
      %dma_wait3A_44 = arith.constant 0 : i32
      %dma_wait3A_45 = tpu.memref_slice %arg3[%add3A, %dma_wait3A_44] : memref<32x8192xf32, #tpu.memory_space<hbm>> -> memref<1x8192xf32, #tpu.memory_space<hbm>>
      %dma_wait3A_46 = tpu.memref_squeeze %dma_wait3A_45 : memref<1x8192xf32, #tpu.memory_space<hbm>> -> memref<8192xf32, #tpu.memory_space<hbm>>
      %dma_wait3A_47 = arith.constant 0 : i32
      %dma_wait3A_48 = tpu.memref_slice %arg7[%dma_wait3A_47] : memref<8208xf32, #tpu.memory_space<vmem>> -> memref<8192xf32, #tpu.memory_space<vmem>>
      %dma_wait3A_49 = arith.constant 0 : i32
      %dma_wait3A_50 = tpu.memref_slice %arg3[%add3A, %dma_wait3A_49] : memref<32x8192xf32, #tpu.memory_space<hbm>> -> memref<1x8192xf32, #tpu.memory_space<hbm>>
      %dma_wait3A_51 = tpu.memref_squeeze %dma_wait3A_50 : memref<1x8192xf32, #tpu.memory_space<hbm>> -> memref<8192xf32, #tpu.memory_space<hbm>>
      tpu.wait_dma2 semaphore(%run_scoped3A : memref<!tpu.dma_semaphore, #tpu.memory_space<semaphore_mem>>) src(%dma_wait3A_51 : memref<8192xf32, #tpu.memory_space<hbm>>) dst(%dma_wait3A_48 : memref<8192xf32, #tpu.memory_space<vmem>>)
      tpu.yield
    }) : () -> ()
    "tpu.region"() ({
      %run_scoped3A = tpu.sem_alloc : memref<!tpu.dma_semaphore, #tpu.memory_space<semaphore_mem>>
      %dma_start3A = arith.constant 0 : i32
      %dma_start3A_34 = tpu.memref_slice %arg8[%dma_start3A] : memref<8208xi32, #tpu.memory_space<vmem>> -> memref<8192xi32, #tpu.memory_space<vmem>>
      %dma_start3A_35 = arith.constant 0 : i32
      %dma_start3A_36 = tpu.memref_slice %arg4[%add3A, %dma_start3A_35] : memref<32x8192xi32, #tpu.memory_space<hbm>> -> memref<1x8192xi32, #tpu.memory_space<hbm>>
      %dma_start3A_37 = tpu.memref_squeeze %dma_start3A_36 : memref<1x8192xi32, #tpu.memory_space<hbm>> -> memref<8192xi32, #tpu.memory_space<hbm>>
      %dma_start3A_38 = arith.constant 0 : i32
      %dma_start3A_39 = tpu.memref_slice %arg8[%dma_start3A_38] : memref<8208xi32, #tpu.memory_space<vmem>> -> memref<8192xi32, #tpu.memory_space<vmem>>
      %dma_start3A_40 = arith.constant 0 : i32
      %dma_start3A_41 = tpu.memref_slice %arg4[%add3A, %dma_start3A_40] : memref<32x8192xi32, #tpu.memory_space<hbm>> -> memref<1x8192xi32, #tpu.memory_space<hbm>>
      %dma_start3A_42 = tpu.memref_squeeze %dma_start3A_41 : memref<1x8192xi32, #tpu.memory_space<hbm>> -> memref<8192xi32, #tpu.memory_space<hbm>>
      tpu.enqueue_dma source(%dma_start3A_42 : memref<8192xi32, #tpu.memory_space<hbm>>) target(%dma_start3A_39 : memref<8192xi32, #tpu.memory_space<vmem>>) target_semaphore(%run_scoped3A : memref<!tpu.dma_semaphore, #tpu.memory_space<semaphore_mem>>)
      %dma_wait3A = arith.constant 0 : i32
      %dma_wait3A_43 = tpu.memref_slice %arg8[%dma_wait3A] : memref<8208xi32, #tpu.memory_space<vmem>> -> memref<8192xi32, #tpu.memory_space<vmem>>
      %dma_wait3A_44 = arith.constant 0 : i32
      %dma_wait3A_45 = tpu.memref_slice %arg4[%add3A, %dma_wait3A_44] : memref<32x8192xi32, #tpu.memory_space<hbm>> -> memref<1x8192xi32, #tpu.memory_space<hbm>>
      %dma_wait3A_46 = tpu.memref_squeeze %dma_wait3A_45 : memref<1x8192xi32, #tpu.memory_space<hbm>> -> memref<8192xi32, #tpu.memory_space<hbm>>
      %dma_wait3A_47 = arith.constant 0 : i32
      %dma_wait3A_48 = tpu.memref_slice %arg8[%dma_wait3A_47] : memref<8208xi32, #tpu.memory_space<vmem>> -> memref<8192xi32, #tpu.memory_space<vmem>>
      %dma_wait3A_49 = arith.constant 0 : i32
      %dma_wait3A_50 = tpu.memref_slice %arg4[%add3A, %dma_wait3A_49] : memref<32x8192xi32, #tpu.memory_space<hbm>> -> memref<1x8192xi32, #tpu.memory_space<hbm>>
      %dma_wait3A_51 = tpu.memref_squeeze %dma_wait3A_50 : memref<1x8192xi32, #tpu.memory_space<hbm>> -> memref<8192xi32, #tpu.memory_space<hbm>>
      tpu.wait_dma2 semaphore(%run_scoped3A : memref<!tpu.dma_semaphore, #tpu.memory_space<semaphore_mem>>) src(%dma_wait3A_51 : memref<8192xi32, #tpu.memory_space<hbm>>) dst(%dma_wait3A_48 : memref<8192xi32, #tpu.memory_space<vmem>>)
      tpu.yield
    }) : () -> ()
    %iota3A = tpu.iota {dimensions = array<i32: 0>} : vector<16xi32>
    %eq3A = arith.constant 0 : i32
    %eq3A_1 = vector.broadcast %eq3A : i32 to vector<16xi32>
    %eq3A_2 = arith.cmpi eq, %iota3A, %eq3A_1 : vector<16xi32>
    %broadcast_in_dim3A = arith.constant 0.000000e+00 : f32
    %broadcast_in_dim3A_3 = vector.broadcast %broadcast_in_dim3A : f32 to vector<16xf32>
    %scan3A = arith.constant 0 : i32
    %scan3A_4 = arith.constant 0 : i32
    %scan3A_5 = arith.constant 257 : i32
    %scan3A_6 = arith.addi %scan3A_4, %scan3A_5 : i32
    %scan3A_7 = arith.constant 1 : i32
    scf.for %scan3A_34 = %scan3A_4 to %scan3A_6 step %scan3A_7  : i32 {
      %mul3A_35 = arith.constant 16 : i32
      %mul3A_36 = arith.muli %scan3A_34, %mul3A_35 : i32
      %add3A_37 = vector.broadcast %mul3A_36 : i32 to vector<16xi32>
      %add3A_38 = arith.addi %iota3A, %add3A_37 : vector<16xi32>
      %mul3A_39 = arith.constant 16 : i32
      %mul3A_40 = arith.muli %scan3A_34, %mul3A_39 : i32
      %swap3A_41 = arith.index_cast %mul3A_40 : i32 to index
      %swap3A_42 = tpu.vector_load %arg9[%swap3A_41] {strides = array<i32>} : memref<4112xi32, #tpu.memory_space<vmem>>, vector<16xi32>,
      tpu.vector_store %arg9[%swap3A_41], %add3A_38 {strides = array<i32>} : memref<4112xi32, #tpu.memory_space<vmem>>, vector<16xi32>,
      %mul3A_43 = arith.constant 16 : i32
      %mul3A_44 = arith.muli %scan3A_34, %mul3A_43 : i32
      %swap3A_45 = arith.index_cast %mul3A_44 : i32 to index
      %swap3A_46 = tpu.vector_load %arg10[%swap3A_45] {strides = array<i32>} : memref<4112xf32, #tpu.memory_space<vmem>>, vector<16xf32>,
      tpu.vector_store %arg10[%swap3A_45], %broadcast_in_dim3A_3 {strides = array<i32>} : memref<4112xf32, #tpu.memory_space<vmem>>, vector<16xf32>,
    }
    %scan3A_8 = arith.constant 257 : i32
    %scan3A_9 = arith.constant 0 : i32
    %scan3A_10 = arith.constant 0 : i32
    %scan3A_11 = arith.constant 504 : i32
    %scan3A_12 = arith.addi %scan3A_10, %scan3A_11 : i32
    %scan3A_13 = arith.constant 1 : i32
    %scan3A_14 = scf.for %scan3A_34 = %scan3A_10 to %scan3A_12 step %scan3A_13 iter_args(%scan3A_35 = %scan3A_9) -> (i32)  : i32 {
      %mul3A_36 = arith.constant 16 : i32
      %mul3A_37 = arith.muli %scan3A_34, %mul3A_36 : i32
      %get3A = arith.index_cast %mul3A_37 : i32 to index
      %get3A_38 = tpu.vector_load %arg7[%get3A] {strides = array<i32>} : memref<8208xf32, #tpu.memory_space<vmem>>, vector<16xf32>,
      %mul3A_39 = arith.constant 16 : i32
      %mul3A_40 = arith.muli %scan3A_34, %mul3A_39 : i32
      %get3A_41 = arith.index_cast %mul3A_40 : i32 to index
      %get3A_42 = tpu.vector_load %arg8[%get3A_41] {strides = array<i32>} : memref<8208xi32, #tpu.memory_space<vmem>>, vector<16xi32>,
      %and3A = arith.constant 4095 : i32
      %and3A_43 = vector.broadcast %and3A : i32 to vector<16xi32>
      %and3A_44 = arith.andi %get3A_42, %and3A_43 : vector<16xi32>
      %ge3A_45 = arith.constant 4096 : i32
      %ge3A_46 = vector.broadcast %ge3A_45 : i32 to vector<16xi32>
      %ge3A_47 = arith.cmpi sge, %get3A_42, %ge3A_46 : vector<16xi32>
      %jit3A = arith.constant 64 : i32
      %jit3A_48 = arith.constant 1 : i32
      %broadcast_in_dim3A_49 = vector.broadcast %jit3A : i32 to vector<16xi32>
      %broadcast_in_dim3A_50 = vector.broadcast %jit3A_48 : i32 to vector<16xi32>
      %select_n3A_51 = arith.select %ge3A_47, %broadcast_in_dim3A_49, %broadcast_in_dim3A_50 : vector<16xi1>, vector<16xi32>
      %add3A_52 = arith.addi %and3A_44, %select_n3A_51 : vector<16xi32>
      %gather3A = tpu.vector_load_idx %arg9[%and3A_44] : memref<4112xi32, #tpu.memory_space<vmem>>[vector<16xi32>], vector<16xi32>,
      %while3A:2 = scf.while (%while3A_58 = %and3A_44, %while3A_59 = %gather3A) : (vector<16xi32>, vector<16xi32>) -> (vector<16xi32>, vector<16xi32>) {
        %ne3A_60 = arith.cmpi ne, %while3A_59, %while3A_58 : vector<16xi32>
        %all_reduce_population_count3A_61 = tpu.all_reduce %ne3A_60 {dim = 0 : i64, kind = #tpu.reduction_kind<sum>} : vector<16xi1> -> vector<16xi32>
        %slice3A_62 = vector.extract_strided_slice %all_reduce_population_count3A_61 {offsets = [0], sizes = [1], strides = [1]} : vector<16xi32> to vector<1xi32>
        %squeeze3A_63 = vector.extract %slice3A_62[0] : i32 from vector<1xi32>
        %gt3A_64 = arith.constant 0 : i32
        %gt3A_65 = arith.cmpi sgt, %squeeze3A_63, %gt3A_64 : i32
        scf.condition(%gt3A_65) %while3A_58, %while3A_59 : vector<16xi32>, vector<16xi32>
      } do {
      ^bb0(%while3A_58: vector<16xi32>, %while3A_59: vector<16xi32>):
        %ne3A_60 = arith.cmpi ne, %while3A_59, %while3A_58 : vector<16xi32>
        %select_n3A_61 = arith.select %ne3A_60, %while3A_59, %while3A_58 : vector<16xi1>, vector<16xi32>
        %gather3A_62 = tpu.vector_load_idx %arg9[%select_n3A_61] : memref<4112xi32, #tpu.memory_space<vmem>>[vector<16xi32>], vector<16xi32>,
        scf.yield %select_n3A_61, %gather3A_62 : vector<16xi32>, vector<16xi32>
      }
      %gather3A_53 = tpu.vector_load_idx %arg9[%add3A_52] : memref<4112xi32, #tpu.memory_space<vmem>>[vector<16xi32>], vector<16xi32>,
      %while3A_54:2 = scf.while (%while3A_58 = %add3A_52, %while3A_59 = %gather3A_53) : (vector<16xi32>, vector<16xi32>) -> (vector<16xi32>, vector<16xi32>) {
        %ne3A_60 = arith.cmpi ne, %while3A_59, %while3A_58 : vector<16xi32>
        %all_reduce_population_count3A_61 = tpu.all_reduce %ne3A_60 {dim = 0 : i64, kind = #tpu.reduction_kind<sum>} : vector<16xi1> -> vector<16xi32>
        %slice3A_62 = vector.extract_strided_slice %all_reduce_population_count3A_61 {offsets = [0], sizes = [1], strides = [1]} : vector<16xi32> to vector<1xi32>
        %squeeze3A_63 = vector.extract %slice3A_62[0] : i32 from vector<1xi32>
        %gt3A_64 = arith.constant 0 : i32
        %gt3A_65 = arith.cmpi sgt, %squeeze3A_63, %gt3A_64 : i32
        scf.condition(%gt3A_65) %while3A_58, %while3A_59 : vector<16xi32>, vector<16xi32>
      } do {
      ^bb0(%while3A_58: vector<16xi32>, %while3A_59: vector<16xi32>):
        %ne3A_60 = arith.cmpi ne, %while3A_59, %while3A_58 : vector<16xi32>
        %select_n3A_61 = arith.select %ne3A_60, %while3A_59, %while3A_58 : vector<16xi1>, vector<16xi32>
        %gather3A_62 = tpu.vector_load_idx %arg9[%select_n3A_61] : memref<4112xi32, #tpu.memory_space<vmem>>[vector<16xi32>], vector<16xi32>,
        scf.yield %select_n3A_61, %gather3A_62 : vector<16xi32>, vector<16xi32>
      }
      tpu.vector_store_idx %arg9[%and3A_44], %while3A#0 : memref<4112xi32, #tpu.memory_space<vmem>>[vector<16xi32>], vector<16xi32>,
      tpu.vector_store_idx %arg9[%add3A_52], %while3A_54#0 : memref<4112xi32, #tpu.memory_space<vmem>>[vector<16xi32>], vector<16xi32>,
      %ne3A = arith.cmpi ne, %while3A#0, %while3A_54#0 : vector<16xi32>
      %all_reduce_population_count3A = tpu.all_reduce %ne3A {dim = 0 : i64, kind = #tpu.reduction_kind<sum>} : vector<16xi1> -> vector<16xi32>
      %slice3A = vector.extract_strided_slice %all_reduce_population_count3A {offsets = [0], sizes = [1], strides = [1]} : vector<16xi32> to vector<1xi32>
      %squeeze3A = vector.extract %slice3A[0] : i32 from vector<1xi32>
      %gt3A = arith.constant 0 : i32
      %gt3A_55 = arith.cmpi sgt, %squeeze3A, %gt3A : i32
      %convert_element_type3A = arith.extui %gt3A_55 : i1 to i32
      %cond3A = arith.constant 0 : i32
      %cond3A_56 = arith.cmpi ne, %convert_element_type3A, %cond3A : i32
      %cond3A_57 = scf.if %cond3A_56 -> (i32) {
        %swap3A_58 = arith.constant 0 : index
        %swap3A_59 = tpu.vector_load %arg11[%swap3A_58] {strides = array<i32>} : memref<32xi32, #tpu.memory_space<vmem>>, vector<16xi32>,
        tpu.vector_store %arg11[%swap3A_58], %while3A#0 {strides = array<i32>} : memref<32xi32, #tpu.memory_space<vmem>>, vector<16xi32>,
        %swap3A_60 = arith.constant 0 : index
        %swap3A_61 = tpu.vector_load %arg12[%swap3A_60] {strides = array<i32>} : memref<32xi32, #tpu.memory_space<vmem>>, vector<16xi32>,
        tpu.vector_store %arg12[%swap3A_60], %while3A_54#0 {strides = array<i32>} : memref<32xi32, #tpu.memory_space<vmem>>, vector<16xi32>,
        %swap3A_62 = arith.constant 0 : index
        %swap3A_63 = tpu.vector_load %arg13[%swap3A_62] {strides = array<i32>} : memref<32xf32, #tpu.memory_space<vmem>>, vector<16xf32>,
        tpu.vector_store %arg13[%swap3A_62], %get3A_38 {strides = array<i32>} : memref<32xf32, #tpu.memory_space<vmem>>, vector<16xf32>,
        %while3A_64:2 = scf.while (%while3A_65 = %ne3A, %while3A_66 = %scan3A_35) : (vector<16xi1>, i32) -> (vector<16xi1>, i32) {
          %all_reduce_population_count3A_67 = tpu.all_reduce %while3A_65 {dim = 0 : i64, kind = #tpu.reduction_kind<sum>} : vector<16xi1> -> vector<16xi32>
          %slice3A_68 = vector.extract_strided_slice %all_reduce_population_count3A_67 {offsets = [0], sizes = [1], strides = [1]} : vector<16xi32> to vector<1xi32>
          %squeeze3A_69 = vector.extract %slice3A_68[0] : i32 from vector<1xi32>
          %gt3A_70 = arith.constant 0 : i32
          %gt3A_71 = arith.cmpi sgt, %squeeze3A_69, %gt3A_70 : i32
          scf.condition(%gt3A_71) %while3A_65, %while3A_66 : vector<16xi1>, i32
        } do {
        ^bb0(%while3A_65: vector<16xi1>, %while3A_66: i32):
          %all_reduce_ffs3A = tpu.all_reduce %while3A_65 {dim = 0 : i64, kind = #tpu.reduction_kind<find_first_set>} : vector<16xi1> -> vector<16xi32>
          %slice3A_67 = vector.extract_strided_slice %all_reduce_ffs3A {offsets = [0], sizes = [1], strides = [1]} : vector<16xi32> to vector<1xi32>
          %squeeze3A_68 = vector.extract %slice3A_67[0] : i32 from vector<1xi32>
          %get3A_69 = arith.index_cast %squeeze3A_68 : i32 to index
          %get3A_70 = tpu.vector_load %arg11[%get3A_69] {strides = array<i32>} : memref<32xi32, #tpu.memory_space<vmem>>, vector<16xi32>,
          %slice3A_71 = vector.extract_strided_slice %get3A_70 {offsets = [0], sizes = [1], strides = [1]} : vector<16xi32> to vector<1xi32>
          %squeeze3A_72 = vector.extract %slice3A_71[0] : i32 from vector<1xi32>
          %while3A_73 = scf.while (%while3A_91 = %squeeze3A_72) : (i32) -> i32 {
            %get3A_92 = arith.index_cast %while3A_91 : i32 to index
            %get3A_93 = tpu.vector_load %arg9[%get3A_92] {strides = array<i32>} : memref<4112xi32, #tpu.memory_space<vmem>>, vector<16xi32>,
            %slice3A_94 = vector.extract_strided_slice %get3A_93 {offsets = [0], sizes = [1], strides = [1]} : vector<16xi32> to vector<1xi32>
            %squeeze3A_95 = vector.extract %slice3A_94[0] : i32 from vector<1xi32>
            %ne3A_96 = arith.cmpi ne, %squeeze3A_95, %while3A_91 : i32
            scf.condition(%ne3A_96) %while3A_91 : i32
          } do {
          ^bb0(%while3A_91: i32):
            %get3A_92 = arith.index_cast %while3A_91 : i32 to index
            %get3A_93 = tpu.vector_load %arg9[%get3A_92] {strides = array<i32>} : memref<4112xi32, #tpu.memory_space<vmem>>, vector<16xi32>,
            %slice3A_94 = vector.extract_strided_slice %get3A_93 {offsets = [0], sizes = [1], strides = [1]} : vector<16xi32> to vector<1xi32>
            %squeeze3A_95 = vector.extract %slice3A_94[0] : i32 from vector<1xi32>
            scf.yield %squeeze3A_95 : i32
          }
          %get3A_74 = arith.index_cast %squeeze3A_68 : i32 to index
          %get3A_75 = tpu.vector_load %arg12[%get3A_74] {strides = array<i32>} : memref<32xi32, #tpu.memory_space<vmem>>, vector<16xi32>,
          %slice3A_76 = vector.extract_strided_slice %get3A_75 {offsets = [0], sizes = [1], strides = [1]} : vector<16xi32> to vector<1xi32>
          %squeeze3A_77 = vector.extract %slice3A_76[0] : i32 from vector<1xi32>
          %while3A_78 = scf.while (%while3A_91 = %squeeze3A_77) : (i32) -> i32 {
            %get3A_92 = arith.index_cast %while3A_91 : i32 to index
            %get3A_93 = tpu.vector_load %arg9[%get3A_92] {strides = array<i32>} : memref<4112xi32, #tpu.memory_space<vmem>>, vector<16xi32>,
            %slice3A_94 = vector.extract_strided_slice %get3A_93 {offsets = [0], sizes = [1], strides = [1]} : vector<16xi32> to vector<1xi32>
            %squeeze3A_95 = vector.extract %slice3A_94[0] : i32 from vector<1xi32>
            %ne3A_96 = arith.cmpi ne, %squeeze3A_95, %while3A_91 : i32
            scf.condition(%ne3A_96) %while3A_91 : i32
          } do {
          ^bb0(%while3A_91: i32):
            %get3A_92 = arith.index_cast %while3A_91 : i32 to index
            %get3A_93 = tpu.vector_load %arg9[%get3A_92] {strides = array<i32>} : memref<4112xi32, #tpu.memory_space<vmem>>, vector<16xi32>,
            %slice3A_94 = vector.extract_strided_slice %get3A_93 {offsets = [0], sizes = [1], strides = [1]} : vector<16xi32> to vector<1xi32>
            %squeeze3A_95 = vector.extract %slice3A_94[0] : i32 from vector<1xi32>
            scf.yield %squeeze3A_95 : i32
          }
          %ne3A_79 = arith.cmpi ne, %while3A_73, %while3A_78 : i32
          %convert_element_type3A_80 = arith.extui %ne3A_79 : i1 to i32
          %cond3A_81 = arith.constant 0 : i32
          %cond3A_82 = arith.cmpi ne, %convert_element_type3A_80, %cond3A_81 : i32
          %cond3A_83 = scf.if %cond3A_82 -> (i32) {
            %get3A_91 = arith.index_cast %while3A_73 : i32 to index
            %get3A_92 = tpu.vector_load %arg6[%get3A_91] {strides = array<i32>} : memref<4112xf32, #tpu.memory_space<vmem>>, vector<16xf32>,
            %slice3A_93 = vector.extract_strided_slice %get3A_92 {offsets = [0], sizes = [1], strides = [1]} : vector<16xf32> to vector<1xf32>
            %squeeze3A_94 = vector.extract %slice3A_93[0] : f32 from vector<1xf32>
            %get3A_95 = arith.index_cast %while3A_78 : i32 to index
            %get3A_96 = tpu.vector_load %arg6[%get3A_95] {strides = array<i32>} : memref<4112xf32, #tpu.memory_space<vmem>>, vector<16xf32>,
            %slice3A_97 = vector.extract_strided_slice %get3A_96 {offsets = [0], sizes = [1], strides = [1]} : vector<16xf32> to vector<1xf32>
            %squeeze3A_98 = vector.extract %slice3A_97[0] : f32 from vector<1xf32>
            %lt3A = arith.cmpf olt, %squeeze3A_94, %squeeze3A_98 : f32
            %eq3A_99 = arith.cmpf oeq, %squeeze3A_94, %squeeze3A_98 : f32
            %lt3A_100 = arith.cmpi slt, %while3A_73, %while3A_78 : i32
            %and3A_101 = arith.andi %eq3A_99, %lt3A_100 : i1
            %or3A = arith.ori %lt3A, %and3A_101 : i1
            %select_n3A_102 = arith.select %or3A, %while3A_78, %while3A_73 : i32
            %select_n3A_103 = arith.select %or3A, %while3A_73, %while3A_78 : i32
            %broadcast_in_dim3A_104 = vector.broadcast %select_n3A_102 : i32 to vector<16xi32>
            %broadcast_in_dim3A_105 = vector.broadcast %select_n3A_103 : i32 to vector<16xi32>
            tpu.vector_store_idx %arg9[%broadcast_in_dim3A_104], %broadcast_in_dim3A_105 masked %eq3A_2 : memref<4112xi32, #tpu.memory_space<vmem>>[vector<16xi32>], vector<16xi32>, vector<16xi1>
            %get3A_106 = arith.index_cast %squeeze3A_68 : i32 to index
            %get3A_107 = tpu.vector_load %arg13[%get3A_106] {strides = array<i32>} : memref<32xf32, #tpu.memory_space<vmem>>, vector<16xf32>,
            %slice3A_108 = vector.extract_strided_slice %get3A_107 {offsets = [0], sizes = [1], strides = [1]} : vector<16xf32> to vector<1xf32>
            %squeeze3A_109 = vector.extract %slice3A_108[0] : f32 from vector<1xf32>
            %max3A = arith.maximumf %squeeze3A_94, %squeeze3A_98 : f32
            %sub3A_110 = arith.subf %squeeze3A_109, %max3A : f32
            %broadcast_in_dim3A_111 = vector.broadcast %while3A_66 : i32 to vector<16xi32>
            %broadcast_in_dim3A_112 = vector.broadcast %sub3A_110 : f32 to vector<16xf32>
            tpu.vector_store_idx %arg10[%broadcast_in_dim3A_111], %broadcast_in_dim3A_112 masked %eq3A_2 : memref<4112xf32, #tpu.memory_space<vmem>>[vector<16xi32>], vector<16xf32>, vector<16xi1>
            %add3A_113 = arith.constant 1 : i32
            %add3A_114 = arith.addi %while3A_66, %add3A_113 : i32
            scf.yield %add3A_114 : i32
          } else {
            scf.yield %while3A_66 : i32
          }
          %convert_element_type3A_84 = arith.extui %while3A_65 : vector<16xi1> to vector<16xi32>
          %cumsum3A = arith.constant true
          %cumsum3A_85 = vector.broadcast %cumsum3A : i1 to vector<16xi1>
          %cumsum3A_86 = tpu.scan <sum>, %convert_element_type3A_84 masked %cumsum3A_85 : vector<16xi32>, vector<16xi1> -> vector<16xi32>
          %ne3A_87 = arith.constant 1 : i32
          %ne3A_88 = vector.broadcast %ne3A_87 : i32 to vector<16xi32>
          %ne3A_89 = arith.cmpi ne, %cumsum3A_86, %ne3A_88 : vector<16xi32>
          %and3A_90 = arith.andi %while3A_65, %ne3A_89 : vector<16xi1>
          scf.yield %and3A_90, %cond3A_83 : vector<16xi1>, i32
        }
        scf.yield %while3A_64#1 : i32
      } else {
        scf.yield %scan3A_35 : i32
      }
      scf.yield %cond3A_57 : i32
    }
    %scan3A_15 = arith.constant 504 : i32
    %broadcast_in_dim3A_16 = arith.constant 0.000000e+00 : f32
    %broadcast_in_dim3A_17 = vector.broadcast %broadcast_in_dim3A_16 : f32 to vector<16xf32>
    %scan3A_18 = arith.constant 0 : i32
    %scan3A_19 = arith.constant 257 : i32
    %scan3A_20 = arith.addi %scan3A_18, %scan3A_19 : i32
    %scan3A_21 = arith.constant 1 : i32
    %scan3A_22 = scf.for %scan3A_34 = %scan3A_18 to %scan3A_20 step %scan3A_21 iter_args(%scan3A_35 = %broadcast_in_dim3A_17) -> (vector<16xf32>)  : i32 {
      %mul3A_36 = arith.constant 16 : i32
      %mul3A_37 = arith.muli %scan3A_34, %mul3A_36 : i32
      %get3A = arith.index_cast %mul3A_37 : i32 to index
      %get3A_38 = tpu.vector_load %arg10[%get3A] {strides = array<i32>} : memref<4112xf32, #tpu.memory_space<vmem>>, vector<16xf32>,
      %sort3A = arith.constant dense<true> : vector<16xi1>
      %sort3A_39, %sort3A_40, %sort3A_41 = tpu.sort %get3A_38, %get3A_38 masked %sort3A : (vector<16xf32>, vector<16xf32>, vector<16xi1>) -> (vector<16xi1>, vector<16xf32>, vector<16xf32>)
      %rev3A = arith.constant 15 : i32
      %rev3A_42 = vector.broadcast %rev3A : i32 to vector<16xi32>
      %rev3A_43 = tpu.iota {dimensions = array<i32: 0>} : vector<16xi32>
      %rev3A_44 = arith.subi %rev3A_42, %rev3A_43 : vector<16xi32>
      %rev3A_45 = tpu.dynamic_gather %sort3A_40[%rev3A_44] in [0] : vector<16xf32>, vector<16xi32> -> vector<16xf32>
      %max3A = arith.maximumf %scan3A_35, %rev3A_45 : vector<16xf32>
      %sort3A_46 = arith.constant dense<true> : vector<16xi1>
      %sort3A_47, %sort3A_48, %sort3A_49 = tpu.sort %max3A, %max3A masked %sort3A_46 : (vector<16xf32>, vector<16xf32>, vector<16xi1>) -> (vector<16xi1>, vector<16xf32>, vector<16xf32>)
      scf.yield %sort3A_48 : vector<16xf32>
    }
    %scan3A_23 = arith.constant 257 : i32
    %mul3A_24 = arith.mulf %scan3A_22, %scan3A_22 : vector<16xf32>
    %eq3A_25 = arith.constant 15 : i32
    %eq3A_26 = vector.broadcast %eq3A_25 : i32 to vector<16xi32>
    %eq3A_27 = arith.cmpi eq, %iota3A, %eq3A_26 : vector<16xi32>
    %sub3A = arith.constant 1.000000e+00 : f32
    %sub3A_28 = vector.broadcast %sub3A : f32 to vector<16xf32>
    %sub3A_29 = arith.subf %sub3A_28, %mul3A_24 : vector<16xf32>
    %ge3A = arith.constant 6 : i32
    %ge3A_30 = vector.broadcast %ge3A : i32 to vector<16xi32>
    %ge3A_31 = arith.cmpi sge, %iota3A, %ge3A_30 : vector<16xi32>
    %select_n3A = arith.select %ge3A_31, %mul3A_24, %broadcast_in_dim3A_3 : vector<16xi1>, vector<16xf32>
    %select_n3A_32 = arith.select %eq3A_27, %sub3A_29, %select_n3A : vector<16xi1>, vector<16xf32>
    %swap3A = arith.constant 0 : index
    %swap3A_33 = tpu.vector_load %arg14[%swap3A] {strides = array<i32>} : memref<16xf32, #tpu.memory_space<vmem>>, vector<16xf32>,
    tpu.vector_store %arg14[%swap3A], %select_n3A_32 {strides = array<i32>} : memref<16xf32, #tpu.memory_space<vmem>>, vector<16xf32>,
    "tpu.region"() ({
      %run_scoped3A = tpu.sem_alloc : memref<!tpu.dma_semaphore, #tpu.memory_space<semaphore_mem>>
      %dma_start3A = arith.constant 0 : i32
      %dma_start3A_34 = tpu.memref_slice %arg5[%add3A, %dma_start3A] : memref<32x16xf32, #tpu.memory_space<hbm>> -> memref<1x16xf32, #tpu.memory_space<hbm>>
      %dma_start3A_35 = tpu.memref_squeeze %dma_start3A_34 : memref<1x16xf32, #tpu.memory_space<hbm>> -> memref<16xf32, #tpu.memory_space<hbm>>
      %dma_start3A_36 = arith.constant 0 : i32
      %dma_start3A_37 = tpu.memref_slice %arg5[%add3A, %dma_start3A_36] : memref<32x16xf32, #tpu.memory_space<hbm>> -> memref<1x16xf32, #tpu.memory_space<hbm>>
      %dma_start3A_38 = tpu.memref_squeeze %dma_start3A_37 : memref<1x16xf32, #tpu.memory_space<hbm>> -> memref<16xf32, #tpu.memory_space<hbm>>
      tpu.enqueue_dma source(%arg14 : memref<16xf32, #tpu.memory_space<vmem>>) target(%dma_start3A_38 : memref<16xf32, #tpu.memory_space<hbm>>) target_semaphore(%run_scoped3A : memref<!tpu.dma_semaphore, #tpu.memory_space<semaphore_mem>>)
      %dma_wait3A = arith.constant 0 : i32
      %dma_wait3A_39 = tpu.memref_slice %arg5[%add3A, %dma_wait3A] : memref<32x16xf32, #tpu.memory_space<hbm>> -> memref<1x16xf32, #tpu.memory_space<hbm>>
      %dma_wait3A_40 = tpu.memref_squeeze %dma_wait3A_39 : memref<1x16xf32, #tpu.memory_space<hbm>> -> memref<16xf32, #tpu.memory_space<hbm>>
      %dma_wait3A_41 = arith.constant 0 : i32
      %dma_wait3A_42 = tpu.memref_slice %arg5[%add3A, %dma_wait3A_41] : memref<32x16xf32, #tpu.memory_space<hbm>> -> memref<1x16xf32, #tpu.memory_space<hbm>>
      %dma_wait3A_43 = tpu.memref_squeeze %dma_wait3A_42 : memref<1x16xf32, #tpu.memory_space<hbm>> -> memref<16xf32, #tpu.memory_space<hbm>>
      tpu.wait_dma2 semaphore(%run_scoped3A : memref<!tpu.dma_semaphore, #tpu.memory_space<semaphore_mem>>) src(%arg14 : memref<16xf32, #tpu.memory_space<vmem>>) dst(%dma_wait3A_43 : memref<16xf32, #tpu.memory_space<hbm>>)
      tpu.yield
    }) : () -> ()
    return
  }
}

module attributes {stable_mosaic.version = 14 : i64} {
  func.func @_edge_sort_body(%arg0: memref<32x4096xf32, #tpu.memory_space<vmem>>, %arg1: memref<32x8192xf32, #tpu.memory_space<vmem>>, %arg2: memref<32x8192xi32, #tpu.memory_space<vmem>>, %arg3: memref<32x8192xf32, #tpu.memory_space<vmem>>, %arg4: memref<32x8192xi32, #tpu.memory_space<vmem>>) attributes {dimension_semantics = [], scalar_prefetch = 0 : i64, scratch_operands = 2 : i64, tpu.core_type = #tpu.core_type<tc>} {
    %get3A = arith.constant 0 : index
    %get3A_0 = arith.constant 0 : index
    %get3A_1 = vector.load %arg0[%get3A, %get3A_0] : memref<32x4096xf32, #tpu.memory_space<vmem>>, vector<32x4096xf32>
    %iota3A = tpu.iota {dimensions = array<i32: 1>} : vector<32x4096xi32>
    %jit3A = arith.constant 64 : i32
    %eq3A = arith.constant 0 : i32
    %eq3A_2 = arith.cmpi eq, %jit3A, %eq3A : i32
    %jit3A_3 = arith.constant 1 : i32
    %select_n3A = arith.select %eq3A_2, %jit3A_3, %jit3A : i32
    %rem3A = vector.broadcast %select_n3A : i32 to vector<32x4096xi32>
    %rem3A_4 = arith.remsi %iota3A, %rem3A : vector<32x4096xi32>
    %ne3A = arith.constant 0 : i32
    %ne3A_5 = vector.broadcast %ne3A : i32 to vector<32x4096xi32>
    %ne3A_6 = arith.cmpi ne, %rem3A_4, %ne3A_5 : vector<32x4096xi32>
    %lt3A = arith.constant 0 : i32
    %lt3A_7 = vector.broadcast %lt3A : i32 to vector<32x4096xi32>
    %lt3A_8 = arith.cmpi slt, %rem3A_4, %lt3A_7 : vector<32x4096xi32>
    %lt3A_9 = arith.constant 0 : i32
    %lt3A_10 = arith.cmpi slt, %select_n3A, %lt3A_9 : i32
    %ne3A_11 = vector.broadcast %lt3A_10 : i1 to vector<32x4096xi1>
    %ne3A_12 = vector.broadcast %ne3A_11 : vector<32x4096xi1> to vector<32x4096xi1>
    %ne3A_13 = arith.xori %lt3A_8, %ne3A_12 : vector<32x4096xi1>
    %and3A = arith.andi %ne3A_13, %ne3A_6 : vector<32x4096xi1>
    %add3A = vector.broadcast %select_n3A : i32 to vector<32x4096xi32>
    %add3A_14 = arith.addi %rem3A_4, %add3A : vector<32x4096xi32>
    %select_n3A_15 = arith.select %and3A, %add3A_14, %rem3A_4 : vector<32x4096xi1>, vector<32x4096xi32>
    %lt3A_16 = arith.constant 63 : i32
    %lt3A_17 = vector.broadcast %lt3A_16 : i32 to vector<32x4096xi32>
    %lt3A_18 = arith.cmpi slt, %select_n3A_15, %lt3A_17 : vector<32x4096xi32>
    %roll3A = arith.constant 4095 : i32
    %roll3A_19 = tpu.dynamic_rotate %get3A_1 by %roll3A dim 1 : vector<32x4096xf32>, i32 -> vector<32x4096xf32>
    %max3A = arith.maximumf %get3A_1, %roll3A_19 : vector<32x4096xf32>
    %jit3A_20 = arith.constant 0x7F800000 : f32
    %broadcast_in_dim3A = vector.broadcast %jit3A_20 : f32 to vector<32x4096xf32>
    %select_n3A_21 = arith.select %lt3A_18, %max3A, %broadcast_in_dim3A : vector<32x4096xi1>, vector<32x4096xf32>
    %lt3A_22 = arith.constant 4032 : i32
    %lt3A_23 = vector.broadcast %lt3A_22 : i32 to vector<32x4096xi32>
    %lt3A_24 = arith.cmpi slt, %iota3A, %lt3A_23 : vector<32x4096xi32>
    %roll3A_25 = arith.constant 4032 : i32
    %roll3A_26 = tpu.dynamic_rotate %get3A_1 by %roll3A_25 dim 1 : vector<32x4096xf32>, i32 -> vector<32x4096xf32>
    %max3A_27 = arith.maximumf %get3A_1, %roll3A_26 : vector<32x4096xf32>
    %jit3A_28 = arith.constant 0x7F800000 : f32
    %broadcast_in_dim3A_29 = vector.broadcast %jit3A_28 : f32 to vector<32x4096xf32>
    %select_n3A_30 = arith.select %lt3A_24, %max3A_27, %broadcast_in_dim3A_29 : vector<32x4096xi1>, vector<32x4096xf32>
    %concatenate3A = tpu.concatenate %select_n3A_21, %select_n3A_30 in 1 : vector<32x4096xf32>, vector<32x4096xf32> -> vector<32x8192xf32>
    %swap3A = arith.constant 0 : index
    %swap3A_31 = arith.constant 0 : index
    %swap3A_32 = vector.load %arg3[%swap3A, %swap3A_31] : memref<32x8192xf32, #tpu.memory_space<vmem>>, vector<32x8192xf32>
    tpu.vector_store %arg3[%swap3A, %swap3A_31], %concatenate3A {strides = array<i32>} : memref<32x8192xf32, #tpu.memory_space<vmem>>, vector<32x8192xf32>,
    %iota3A_33 = tpu.iota {dimensions = array<i32: 1>} : vector<32x8192xi32>
    %swap3A_34 = arith.constant 0 : index
    %swap3A_35 = arith.constant 0 : index
    %swap3A_36 = vector.load %arg4[%swap3A_34, %swap3A_35] : memref<32x8192xi32, #tpu.memory_space<vmem>>, vector<32x8192xi32>
    tpu.vector_store %arg4[%swap3A_34, %swap3A_35], %iota3A_33 {strides = array<i32>} : memref<32x8192xi32, #tpu.memory_space<vmem>>, vector<32x8192xi32>,
    %scan3A = arith.constant 0 : i32
    %scan3A_37 = arith.constant 1 : i32
    %scan3A_38 = arith.constant 13 : i32
    %scan3A_39 = arith.addi %scan3A_37, %scan3A_38 : i32
    %scan3A_40 = arith.constant 1 : i32
    scf.for %scan3A_54 = %scan3A_37 to %scan3A_39 step %scan3A_40  : i32 {
      %shift_left3A = arith.constant 1 : i32
      %shift_left3A_55 = arith.shli %shift_left3A, %scan3A_54 : i32
      %while3A = arith.constant 0 : i32
      %while3A_56 = arith.subi %scan3A_54, %while3A : i32
      %while3A_57 = arith.addi %while3A, %while3A_56 : i32
      %while3A_58 = arith.constant 1 : i32
      %while3A_59 = arith.divsi %while3A_56, %while3A_58 : i32
      %while3A_60 = arith.muli %while3A_59, %while3A_58 : i32
      %while3A_61 = arith.addi %while3A, %while3A_60 : i32
      %while3A_62 = arith.constant 1 : i32
      scf.for %while3A_64 = %while3A to %while3A_61 step %while3A_62  : i32 {
        %add3A_65 = arith.constant 1 : i32
        %add3A_66 = arith.addi %while3A_64, %add3A_65 : i32
        %shift_right_arithmetic3A = arith.shrsi %shift_left3A_55, %add3A_66 : i32
        %get3A_67 = arith.constant 0 : index
        %get3A_68 = arith.constant 0 : index
        %get3A_69 = vector.load %arg3[%get3A_67, %get3A_68] : memref<32x8192xf32, #tpu.memory_space<vmem>>, vector<32x8192xf32>
        %get3A_70 = arith.constant 0 : index
        %get3A_71 = arith.constant 0 : index
        %get3A_72 = vector.load %arg4[%get3A_70, %get3A_71] : memref<32x8192xi32, #tpu.memory_space<vmem>>, vector<32x8192xi32>
        %and3A_73 = vector.broadcast %shift_right_arithmetic3A : i32 to vector<32x8192xi32>
        %and3A_74 = arith.andi %iota3A_33, %and3A_73 : vector<32x8192xi32>
        %eq3A_75 = arith.constant 0 : i32
        %eq3A_76 = vector.broadcast %eq3A_75 : i32 to vector<32x8192xi32>
        %eq3A_77 = arith.cmpi eq, %and3A_74, %eq3A_76 : vector<32x8192xi32>
        %and3A_78 = vector.broadcast %shift_left3A_55 : i32 to vector<32x8192xi32>
        %and3A_79 = arith.andi %iota3A_33, %and3A_78 : vector<32x8192xi32>
        %eq3A_80 = arith.constant 0 : i32
        %eq3A_81 = vector.broadcast %eq3A_80 : i32 to vector<32x8192xi32>
        %eq3A_82 = arith.cmpi eq, %and3A_79, %eq3A_81 : vector<32x8192xi32>
        %xor3A = arith.xori %eq3A_77, %eq3A_82 : vector<32x8192xi1>
        %not3A = arith.constant dense<true> : vector<32x8192xi1>
        %not3A_83 = arith.xori %xor3A, %not3A : vector<32x8192xi1>
        %sub3A = arith.constant 8192 : i32
        %sub3A_84 = arith.subi %sub3A, %shift_right_arithmetic3A : i32
        %roll3A_85 = tpu.dynamic_rotate %get3A_69 by %sub3A_84 dim 1 : vector<32x8192xf32>, i32 -> vector<32x8192xf32>
        %roll3A_86 = tpu.dynamic_rotate %get3A_69 by %shift_right_arithmetic3A dim 1 : vector<32x8192xf32>, i32 -> vector<32x8192xf32>
        %select_n3A_87 = arith.select %eq3A_77, %roll3A_85, %roll3A_86 : vector<32x8192xi1>, vector<32x8192xf32>
        %roll3A_88 = tpu.dynamic_rotate %get3A_72 by %sub3A_84 dim 1 : vector<32x8192xi32>, i32 -> vector<32x8192xi32>
        %roll3A_89 = tpu.dynamic_rotate %get3A_72 by %shift_right_arithmetic3A dim 1 : vector<32x8192xi32>, i32 -> vector<32x8192xi32>
        %select_n3A_90 = arith.select %eq3A_77, %roll3A_88, %roll3A_89 : vector<32x8192xi1>, vector<32x8192xi32>
        %gt3A = arith.cmpf ogt, %get3A_69, %select_n3A_87 : vector<32x8192xf32>
        %and3A_91 = arith.andi %not3A_83, %gt3A : vector<32x8192xi1>
        %not3A_92 = arith.constant dense<true> : vector<32x8192xi1>
        %not3A_93 = arith.xori %not3A_83, %not3A_92 : vector<32x8192xi1>
        %lt3A_94 = arith.cmpf olt, %get3A_69, %select_n3A_87 : vector<32x8192xf32>
        %and3A_95 = arith.andi %not3A_93, %lt3A_94 : vector<32x8192xi1>
        %or3A = arith.ori %and3A_91, %and3A_95 : vector<32x8192xi1>
        %select_n3A_96 = arith.select %or3A, %select_n3A_87, %get3A_69 : vector<32x8192xi1>, vector<32x8192xf32>
        %swap3A_97 = arith.constant 0 : index
        %swap3A_98 = arith.constant 0 : index
        %swap3A_99 = vector.load %arg3[%swap3A_97, %swap3A_98] : memref<32x8192xf32, #tpu.memory_space<vmem>>, vector<32x8192xf32>
        tpu.vector_store %arg3[%swap3A_97, %swap3A_98], %select_n3A_96 {strides = array<i32>} : memref<32x8192xf32, #tpu.memory_space<vmem>>, vector<32x8192xf32>,
        %select_n3A_100 = arith.select %or3A, %select_n3A_90, %get3A_72 : vector<32x8192xi1>, vector<32x8192xi32>
        %swap3A_101 = arith.constant 0 : index
        %swap3A_102 = arith.constant 0 : index
        %swap3A_103 = vector.load %arg4[%swap3A_101, %swap3A_102] : memref<32x8192xi32, #tpu.memory_space<vmem>>, vector<32x8192xi32>
        tpu.vector_store %arg4[%swap3A_101, %swap3A_102], %select_n3A_100 {strides = array<i32>} : memref<32x8192xi32, #tpu.memory_space<vmem>>, vector<32x8192xi32>,
      }
      %while3A_63 = arith.constant 1 : i32
      scf.for %while3A_64 = %while3A_61 to %while3A_57 step %while3A_63  : i32 {
        %add3A_65 = arith.constant 1 : i32
        %add3A_66 = arith.addi %while3A_64, %add3A_65 : i32
        %shift_right_arithmetic3A = arith.shrsi %shift_left3A_55, %add3A_66 : i32
        %get3A_67 = arith.constant 0 : index
        %get3A_68 = arith.constant 0 : index
        %get3A_69 = vector.load %arg3[%get3A_67, %get3A_68] : memref<32x8192xf32, #tpu.memory_space<vmem>>, vector<32x8192xf32>
        %get3A_70 = arith.constant 0 : index
        %get3A_71 = arith.constant 0 : index
        %get3A_72 = vector.load %arg4[%get3A_70, %get3A_71] : memref<32x8192xi32, #tpu.memory_space<vmem>>, vector<32x8192xi32>
        %and3A_73 = vector.broadcast %shift_right_arithmetic3A : i32 to vector<32x8192xi32>
        %and3A_74 = arith.andi %iota3A_33, %and3A_73 : vector<32x8192xi32>
        %eq3A_75 = arith.constant 0 : i32
        %eq3A_76 = vector.broadcast %eq3A_75 : i32 to vector<32x8192xi32>
        %eq3A_77 = arith.cmpi eq, %and3A_74, %eq3A_76 : vector<32x8192xi32>
        %and3A_78 = vector.broadcast %shift_left3A_55 : i32 to vector<32x8192xi32>
        %and3A_79 = arith.andi %iota3A_33, %and3A_78 : vector<32x8192xi32>
        %eq3A_80 = arith.constant 0 : i32
        %eq3A_81 = vector.broadcast %eq3A_80 : i32 to vector<32x8192xi32>
        %eq3A_82 = arith.cmpi eq, %and3A_79, %eq3A_81 : vector<32x8192xi32>
        %xor3A = arith.xori %eq3A_77, %eq3A_82 : vector<32x8192xi1>
        %not3A = arith.constant dense<true> : vector<32x8192xi1>
        %not3A_83 = arith.xori %xor3A, %not3A : vector<32x8192xi1>
        %sub3A = arith.constant 8192 : i32
        %sub3A_84 = arith.subi %sub3A, %shift_right_arithmetic3A : i32
        %roll3A_85 = tpu.dynamic_rotate %get3A_69 by %sub3A_84 dim 1 : vector<32x8192xf32>, i32 -> vector<32x8192xf32>
        %roll3A_86 = tpu.dynamic_rotate %get3A_69 by %shift_right_arithmetic3A dim 1 : vector<32x8192xf32>, i32 -> vector<32x8192xf32>
        %select_n3A_87 = arith.select %eq3A_77, %roll3A_85, %roll3A_86 : vector<32x8192xi1>, vector<32x8192xf32>
        %roll3A_88 = tpu.dynamic_rotate %get3A_72 by %sub3A_84 dim 1 : vector<32x8192xi32>, i32 -> vector<32x8192xi32>
        %roll3A_89 = tpu.dynamic_rotate %get3A_72 by %shift_right_arithmetic3A dim 1 : vector<32x8192xi32>, i32 -> vector<32x8192xi32>
        %select_n3A_90 = arith.select %eq3A_77, %roll3A_88, %roll3A_89 : vector<32x8192xi1>, vector<32x8192xi32>
        %gt3A = arith.cmpf ogt, %get3A_69, %select_n3A_87 : vector<32x8192xf32>
        %and3A_91 = arith.andi %not3A_83, %gt3A : vector<32x8192xi1>
        %not3A_92 = arith.constant dense<true> : vector<32x8192xi1>
        %not3A_93 = arith.xori %not3A_83, %not3A_92 : vector<32x8192xi1>
        %lt3A_94 = arith.cmpf olt, %get3A_69, %select_n3A_87 : vector<32x8192xf32>
        %and3A_95 = arith.andi %not3A_93, %lt3A_94 : vector<32x8192xi1>
        %or3A = arith.ori %and3A_91, %and3A_95 : vector<32x8192xi1>
        %select_n3A_96 = arith.select %or3A, %select_n3A_87, %get3A_69 : vector<32x8192xi1>, vector<32x8192xf32>
        %swap3A_97 = arith.constant 0 : index
        %swap3A_98 = arith.constant 0 : index
        %swap3A_99 = vector.load %arg3[%swap3A_97, %swap3A_98] : memref<32x8192xf32, #tpu.memory_space<vmem>>, vector<32x8192xf32>
        tpu.vector_store %arg3[%swap3A_97, %swap3A_98], %select_n3A_96 {strides = array<i32>} : memref<32x8192xf32, #tpu.memory_space<vmem>>, vector<32x8192xf32>,
        %select_n3A_100 = arith.select %or3A, %select_n3A_90, %get3A_72 : vector<32x8192xi1>, vector<32x8192xi32>
        %swap3A_101 = arith.constant 0 : index
        %swap3A_102 = arith.constant 0 : index
        %swap3A_103 = vector.load %arg4[%swap3A_101, %swap3A_102] : memref<32x8192xi32, #tpu.memory_space<vmem>>, vector<32x8192xi32>
        tpu.vector_store %arg4[%swap3A_101, %swap3A_102], %select_n3A_100 {strides = array<i32>} : memref<32x8192xi32, #tpu.memory_space<vmem>>, vector<32x8192xi32>,
      }
    }
    %scan3A_41 = arith.constant 13 : i32
    %get3A_42 = arith.constant 0 : index
    %get3A_43 = arith.constant 0 : index
    %get3A_44 = vector.load %arg3[%get3A_42, %get3A_43] : memref<32x8192xf32, #tpu.memory_space<vmem>>, vector<32x8192xf32>
    %swap3A_45 = arith.constant 0 : index
    %swap3A_46 = arith.constant 0 : index
    %swap3A_47 = vector.load %arg1[%swap3A_45, %swap3A_46] : memref<32x8192xf32, #tpu.memory_space<vmem>>, vector<32x8192xf32>
    tpu.vector_store %arg1[%swap3A_45, %swap3A_46], %get3A_44 {strides = array<i32>} : memref<32x8192xf32, #tpu.memory_space<vmem>>, vector<32x8192xf32>,
    %get3A_48 = arith.constant 0 : index
    %get3A_49 = arith.constant 0 : index
    %get3A_50 = vector.load %arg4[%get3A_48, %get3A_49] : memref<32x8192xi32, #tpu.memory_space<vmem>>, vector<32x8192xi32>
    %swap3A_51 = arith.constant 0 : index
    %swap3A_52 = arith.constant 0 : index
    %swap3A_53 = vector.load %arg2[%swap3A_51, %swap3A_52] : memref<32x8192xi32, #tpu.memory_space<vmem>>, vector<32x8192xi32>
    tpu.vector_store %arg2[%swap3A_51, %swap3A_52], %get3A_50 {strides = array<i32>} : memref<32x8192xi32, #tpu.memory_space<vmem>>, vector<32x8192xi32>,
    return
  }
}

</mosaic_0001>

<sc_bundles>
// kernel: kernel.4.cloned.1.call-start
scs
__scs_entry_jumppad:
0x0: {  	(pc) =	sbr.rel $0x88, $3  }
0x1: {  	(tag) =	ssettag $0x0;
	lr =	simm.s32 $0x1  }
0x2: {  	[smem:$0x3FA0] =	sst lr;
	_ =	strace $0xD0000000  }
0x3: {  	_ = 	snop  }
0x4: {  	_ = 	snop  }
0x5: {  	_ = 	snop  }
0x6: {  	_ = 	snop  }
0x7: {  	_ = 	snop  }
__scs_overlays_trampoline_lowered:
0x8: {  	[smem:$0x3FAF] =	sst s0  }
0x9: {  	[smem:$0x3FB0] =	sst s1  }
0xa: {  	[smem:$0x3FB1] =	sst s2  }
0xb: {  	[smem:$0x3FB2] =	sst s3  }
0xc: {  	[smem:$0x3FB3] =	sst s4  }
0xd: {  	[smem:$0x3FB4] =	sst s5  }
0xe: {  	[smem:$0x3FB5] =	sst s6  }
0xf: {  	[smem:$0x3FB6] =	sst s7  }
0x10: {  	[smem:$0x3FB7] =	sst s8  }
0x11: {  	[smem:$0x3FB8] =	sst s9;
	s0 =	simm.s32 @!p0 $0x0  }
0x12: {  	s1 =	sld [smem:$0x3F9E];
	s0 =	simm.s32 @p0 $0x1  }
0x13: {  	[smem:$0x3FB9] =	sst s0;
	s0 =	simm.s32 @!p1 $0x0  }
0x14: {  	s2 =	sld [smem:$0x3F9D];
	s0 =	simm.s32 @p1 $0x1  }
0x15: {  	[smem:$0x3FBA] =	sst s0;
	s0 =	simm.s32 @!p2 $0x0  }
0x16: {  	s3 =	sld [smem:$0x3FDB];
	s0 =	simm.s32 @p2 $0x1  }
0x17: {  	s4 =	simm.s32 $0x1BF5;
	[smem:$0x3FBC] =	sst s0  }
0x18: {  	s0 =	sld [smem:$0x3F9F];
	_ =	swait.ge [sflag:s4], $0x0  }
0x19: {  	s7 =	sld [smem:$0x3FA0]  }
0x1a: {  	s8 =	sadd.s32 $0xFFFFE003, lr  }
0x1b: {  	s9 =	sadd.s32 $0xFFFFFEF7, lr;
	s5 =	simm.s32 $0xFFFFFFFF;
	p2 =	slt.u32 s8, $0xFFFFF086  }
0x1c: {  	p1 =	slt.u32 s9, $0xF7A;
	s5 =	simm.s32 @!p2 $0x0  }
0x1d: {  	s5 =	simm.s32 @p1 $0x1;
	p0 =	seq.s32 s7, s2  }
0x1e: {  	s7 =	smul.u32 @!p0 $0xF7A, s2;
	p2 =	seq.s32 @!p0 s5, $0x0  }
0x1f: {  	s9 =	smul.u32 $0xF7A, s1;
	s8 =	simm.s32 @!p0 $0x1BF5;
	p2 =	por !p2, p0  }
0x20: {  	[sflag:s8] =	ssyncset.s32 @!p0 $0xFFFFF086;
	s6 =	sadd.s32 @!p0 s3, s7;
	s7 =	simm.s32 @!p0 $0x108  }
0x21: {  	s3 =	sadd.s32 s3, s9;
	s6 =	sadd.s32 @!p0 $0x88, s6;
	s7 =	simm.s32 @p2 $0x1082  }
0x22: {  	[simem:s7], [sflag:s8] =	dma.local @!p0 [hbm:s6], $0xF7A  }
0x23: {  	s9 =	sor.u32 $0xD0000000, s2;
	s6 =	simm.s32 $0x108;
	_ =	swait.ge @!p0 [sflag:s8], $0x0  }
0x24: {  	s3 =	sadd.s32 $0x88, s3;
	s6 =	simm.s32 @!p1 $0x1082;
	[sflag:s4] =	ssyncset.s32 $0xFFFFF086  }
0x25: {  	[simem:s6], [sflag:s4] =	dma.local [hbm:s3], $0xF7A  }
0x26: {  	[smem:$0x3FA0] =	sst s1;
	(tag) =	ssettag s2;
	_ =	strace s9  }
0x27: {  	s1 =	sld [smem:$0x3FB0]  }
0x28: {  	s2 =	sld [smem:$0x3FB1]  }
0x29: {  	s4 =	sld [smem:$0x3FB3]  }
0x2a: {  	p0 =	seq.s32 s5, $0x0;
	s5 =	sld [smem:$0x3FB4]  }
0x2b: {  	s6 =	sld [smem:$0x3FB5]  }
0x2c: {  	s7 =	sld [smem:$0x3FB6]  }
0x2d: {  	s3 =	simm.s32 $0x108;
	s8 =	sld [smem:$0x3FB7]  }
0x2e: {  	s3 =	simm.s32 @!p0 $0x1082;
	s9 =	sld [smem:$0x3FB8]  }
0x2f: {  	lr =	sadd.s32 s0, s3;
	s0 =	sld [smem:$0x3FAF]  }
0x30: {  	s3 =	sld [smem:$0x3FB2]  }
0x31: {  	[smem:$0x3FBB] =	sst s10  }
0x32: {  	s10 =	sld [smem:$0x3FB9];
	_ =	sdelay $0x3  }
0x33: {  	p0 =	seq.s32 s10, $0x1;
	s10 =	sld [smem:$0x3FBB];
	_ =	sdelay $0x3  }
0x34: {  	[smem:$0x3FBB] =	sst s10  }
0x35: {  	s10 =	sld [smem:$0x3FBA];
	_ =	sdelay $0x3  }
0x36: {  	p1 =	seq.s32 s10, $0x1;
	s10 =	sld [smem:$0x3FBB];
	_ =	sdelay $0x3  }
0x37: {  	[smem:$0x3FBB] =	sst s10  }
0x38: {  	s10 =	sld [smem:$0x3FBC]  }
0x39: {  	_ = 	snop;
	(pc) =	sbr.ind lr, $3  }
0x3a: {  	_ = 	snop  }
0x3b: {  	_ = 	snop  }
0x3c: {  	p2 =	seq.s32 s10, $0x1;
	s10 =	sld [smem:$0x3FBB]  }
0x3d: {  	_ =	shalt  }
0x3e: {  	_ =	shalt  }
0x3f: {  	_ =	shalt  }
0x40: {  	_ =	shalt  }
0x41: {  	_ =	shalt  }
0x42: {  	_ =	shalt  }
0x43: {  	_ =	shalt  }
0x44: {  	_ =	shalt  }
0x45: {  	_ =	shalt  }
0x46: {  	_ =	shalt  }
0x47: {  	_ =	shalt  }
0x48: {  	_ =	shalt  }
0x49: {  	_ =	shalt  }
0x4a: {  	_ =	shalt  }
0x4b: {  	_ =	shalt  }
0x4c: {  	_ =	shalt  }
0x4d: {  	_ =	shalt  }
0x4e: {  	_ =	shalt  }
0x4f: {  	_ =	shalt  }
0x50: {  	_ =	shalt  }
0x51: {  	_ =	shalt  }
0x52: {  	_ =	shalt  }
0x53: {  	_ =	shalt  }
0x54: {  	_ =	shalt  }
0x55: {  	_ =	shalt  }
0x56: {  	_ =	shalt  }
0x57: {  	_ =	shalt  }
0x58: {  	_ =	shalt  }
0x59: {  	_ =	shalt  }
0x5a: {  	_ =	shalt  }
0x5b: {  	_ =	shalt  }
0x5c: {  	_ =	shalt  }
0x5d: {  	_ =	shalt  }
0x5e: {  	_ =	shalt  }
0x5f: {  	_ =	shalt  }
0x60: {  	_ =	shalt  }
0x61: {  	_ =	shalt  }
0x62: {  	_ =	shalt  }
0x63: {  	_ =	shalt  }
0x64: {  	_ =	shalt  }
0x65: {  	_ =	shalt  }
0x66: {  	_ =	shalt  }
0x67: {  	_ =	shalt  }
0x68: {  	_ =	shalt  }
0x69: {  	_ =	shalt  }
0x6a: {  	_ =	shalt  }
0x6b: {  	_ =	shalt  }
0x6c: {  	_ =	shalt  }
0x6d: {  	_ =	shalt  }
0x6e: {  	_ =	shalt  }
0x6f: {  	_ =	shalt  }
0x70: {  	_ =	shalt  }
0x71: {  	_ =	shalt  }
0x72: {  	_ =	shalt  }
0x73: {  	_ =	shalt  }
0x74: {  	_ =	shalt  }
0x75: {  	_ =	shalt  }
0x76: {  	_ =	shalt  }
0x77: {  	_ =	shalt  }
0x78: {  	_ =	shalt  }
0x79: {  	_ =	shalt  }
0x7a: {  	_ =	shalt  }
0x7b: {  	_ =	shalt  }
0x7c: {  	_ =	shalt  }
0x7d: {  	_ =	shalt  }
0x7e: {  	_ =	shalt  }
0x7f: {  	_ =	shalt  }
0x80: {  	_ =	shalt  }
0x81: {  	_ =	shalt  }
0x82: {  	_ =	shalt  }
0x83: {  	_ =	shalt  }
0x84: {  	_ =	shalt  }
0x85: {  	_ =	shalt  }
0x86: {  	_ =	shalt  }
0x87: {  	_ =	shalt  }
.Lfunc_end0:
.L_simem_size_0:
called_computation_lowered:
.L_overlay_start_0:
0x88: {  	s2 =	sld [smem:$0x3FD9]  }
0x89: {  	s3 =	sld [smem:$0x3FFE];
	_ =	sdelay $0x1  }
0x8a: {  	s1 =	srdreg.scid  }
0x8b: {  	s0 =	sand.u32 $0x1, s1  }
0x8c: {  	s16 =	sshll.u32 s0, $0xA;
	s2 =	sadd.s32 s3, s2  }
0x8d: {  	s2 =	sadd.s32 s2, s16  }
0x8e: {  	[smem:$0x3FC7] =	sst s2  }
0x8f: {  	_ = 	snop  }
0x90: {  	(tm) =	ssettm $0x1  }
0x91: {  	s17 =	sld [smem:$0x3FFB];
	_ =	sdelay $0x3  }
0x92: {  	_ =	strace s17  }
0x93: {  	s2 =	sld [smem:$0x3FFC];
	_ =	sdelay $0x3  }
0x94: {  	_ =	strace s2  }
0x95: {  	s2 =	sld [smem:$0x3FFD];
	_ =	sdelay $0x3  }
0x96: {  	_ =	strace s2  }
0x97: {  	_ =	strace $0x8FFFFFFF  }
0x98: {  	s18 =	sld [smem:$0x3FDB];
	_ =	sdelay $0x1  }
0x99: {  	s19 =	simm.s32 $_scs_section_size  }
0x9a: {  	s4 =	simm.s32 $_size__tile_overlayer_lowered;
	s5 =	simm.s32 $_tile_overlayer_lowered  }
0x9b: {  	s22 =	simm.s32 $0x1BFF;
	s21 =	sshll.u32 s5, $0x1;
	s2 =	sadd.s32 s19, s18  }
0x9c: {  	s6 =	simm.s32 $0x0;
	s20 =	sshll.u32 s4, $0x1;
	s4 =	sadd.s32 s21, s2  }
0x9d: {  	[timem:s6], [sflag:s22] =	dma.local [hbm:s4], s20  }
0x9e: {  	_ =	swait.ge [sflag:s22], s20  }
0x9f: {  	s3 =	ssub.s32 $0x0, s20;
	[sflag:s22] =	ssyncset.done $0x0  }
0xa0: {  	[sflag:s22] =	ssyncadd.s32 s3;
	_ =	sdelay $0x1  }
0xa1: {  	s23 =	simm.s32 $0x1B8B  }
0xa2: {  	_ =	swait.ge [sflag:s23], $0x1  }
0xa3: {  	[sflag:s23] =	ssyncset.done $0x0  }
0xa4: {  	s25 =	simm.s32 $0x1B8E;
	s24 =	sld [smem:$0x3FFE];
	[sflag:s23] =	ssyncadd.s32 $0xFFFFFFFF  }
0xa5: {  	s26 =	simm.s32 $execute0_lowered;
	[smem:$0x3FD2] =	sst s25  }
0xa6: {  	s4 =	sshll.u32 s26, $0x1;
	_ =	strace $0x80000046;
	[dreg:$0x1] =	wrdreg $0xFFFFFFFF  }
0xa7: {  	s28 =	simm.s32 $_size_execute0_lowered;
	s2 =	sadd.s32 s2, s4;
	[dreg:$0x0] =	wrdreg $0x0  }
0xa8: {  	s4 =	sshll.u32 s28, $0x1;
	[dreg:$0x2] =	wrdreg s2  }
0xa9: {  	[dreg:$0x3] =	wrdreg s4  }
0xaa: {  	[dreg:$0x4] =	wrdreg $0xC0  }
0xab: {  	_ =	task [dreg:s6], $0x5FFFF  }
0xac: {  	[dreg:$0x1] =	wrdreg $0xFFFFFFFF  }
0xad: {  	[dreg:$0x0] =	wrdreg $0x60  }
0xae: {  	[dreg:$0x2] =	wrdreg s24  }
0xaf: {  	[dreg:$0x3] =	wrdreg $0x9  }
0xb0: {  	_ =	task.clear_ibuf [dreg:s6], $0x4FFFF;
	_ =	strace $0x90000046  }
0xb1: {  	s29 =	simm.s32 $0x9;
	_ =	strace $0x80000048  }
0xb2: {  	_ =	swait.ge [sflag:s29], $0x1  }
0xb3: {  	[sflag:s29] =	ssyncadd.s32 $0xFFFFFFFF  }
0xb4: {  	_ =	strace $0x90000048  }
0xb5: {  	_ =	sfence  }
0xb6: {  	s30 =	sld [smem:$0x0];
	_ =	sdelay $0x2  }
0xb7: {  	s31 =	sshll.u32 s1, $0xD;
	s1 =	sshrl.u32 s1, $0x2  }
0xb8: {  	s3 =	sand.u32 $0x4000, s31;
	s1 =	sadd.s32 s1, s30  }
0xb9: {  	s0 =	sor.u32 s3, s0;
	s1 =	sshll.u32 s1, $0x11  }
0xba: {  	s0 =	sor.u32 s1, s0  }
0xbb: {  	s0 =	sadd.s32 $0x8F2B, s0  }
0xbc: {  	[sflag:s0] =	ssyncadd.remote.s32 $0x1  }
0xbd: {  	_ =	sfence.sel $0xFFFF  }
0xbe: {  	[dreg:$0x0] =	wrdreg $0xFFFFFFFF;
	(pc) =	sbr.abs _section_cstart, $3  }
0xbf: {  	[dreg:$0x1] =	wrdreg $0xFFFFFFFF  }
0xc0: {  	_ =	task.clear_ibuf [dreg:s6], $0x2FFFF;
	_ =	strace $0x9FFFFFFF  }
0xc1: {  	(tm) =	ssettm $0x7FFFFFFF  }
tec
execute0_lowered:
.L_overlay_start_1:
0x0: {  	(tag) =	ssettag $0x1  }
0x1: {  	s3 =	rddreg [dreg:$0x0];
	s2 =	srdreg.scid  }
0x2: {  	s1 =	stileid.u32;
	s0 =	rddreg [dreg:$0x1];
	s10 =	simm.s32 $0x1  }
0x3: {  	s11 =	simm.s32 $0x1080;
	s12 =	simm.s32 $0x3100;
	s13 =	simm.s32 $0x5180  }
0x4: {  	s14 =	simm.s32 $0x7400;
	s15 =	simm.s32 $0x0;
	s4 =	sand.u32 $0x1, s2  }
0x5: {  	s28 =	sshll.u32 s1, $0x8;
	s5 =	sshrl.u32 s1, $0x2;
	s2 =	simm.s32 $0x0  }
0x6: {  	s6 =	sshll.u32 s4, $0x7;
	s7 =	sand.u32 $0x300, s28;
	s29 =	sshll.u32 s5, $0xF  }
0x7: {  	[smem:$0x7FF] =	sst s2;
	s8 =	sshll.u32 s5, $0x10;
	s5 =	sshll.u32 s5, $0xA  }
0x8: {  	s4 =	ssub.s32 $0x2, s4;
	s6 =	sor.u32 s6, s7;
	_ =	strace $0x80000047  }
0x9: {  	s31 =	sshrl.u32 s4, $0x1;
	s7 =	sor.u32 s29, s6;
	s8 =	sor.u32 s8, s6  }
0xa: {  	s5 =	sor.u32 s5, s6;
	s7 =	sshrl.u32 s7, $0x3;
	s8 =	sshrl.u32 s8, $0x3  }
0xb: {  	v0 =	vlaneseq.u32;
	s5 =	sshrl.u32 s5, $0x3;
	s7 =	sadd.s32 s7, s3;
	s30 =	sadd.s32 s8, s3  }
0xc: {  	v4 =	vmul.u32 $0xFFFFFFFF, v0;
	s9 =	sadd.s32 s5, s3;
	s8 =	ssub.s32 s4, s31;
	s3 =	sadd.s32 $0x800, s7  }
0xd: {  	v1 =	vimm.f32 $0.0e+00;
	v2 =	vimm.s32 $0x1;
	v3 =	vimm.s32 $0x0;
	s4 =	sadd.s32 $0x4800, s30;
	s5 =	sadd.s32 $0xC800, s30;
	s6 =	sadd.s32 $0x14800, s9  }
0xe: {  	vm0 =	vmmov $0x3f;
	vm1 =	vmmov $0x7fff;
	v4 =	vadd.s32 $0xF, v4;
	s7 =	smax.u32 s8, $0x1;
	s8 =	simm.s32 $0x80;
	s9 =	simm.s32 $0x400  }
.LBB2_1:
0xf: {  	[tilespmem:s2], [sflag:$0x1] =	stream.strided.gather [hbm4b:s3+s8], $0x1000, s9, s8, $0x38;
	[tilespmem:$0x7480] =	vst v63  }
0x10: {  	_ =	swait.ge [sflag:s10], $0x1000  }
0x11: {  	[sflag:s10] =	ssyncset.done $0x0  }
0x12: {  	[sflag:s10] =	ssyncadd.s32 $0xFFFFF000  }
0x13: {  	[tilespmem:s11], [sflag:$0x1] =	stream.strided.gather [hbm4b:s4+s8], $0x2000, s9, s8, $0x38;
	[tilespmem:$0x7480] =	vst v63  }
0x14: {  	_ =	swait.ge [sflag:s10], $0x2000  }
0x15: {  	[sflag:s10] =	ssyncset.done $0x0  }
0x16: {  	[sflag:s10] =	ssyncadd.s32 $0xFFFFE000  }
0x17: {  	[tilespmem:s12], [sflag:$0x1] =	stream.strided.gather [hbm4b:s5+s8], $0x2000, s9, s8, $0x38;
	[tilespmem:$0x7480] =	vst v63  }
0x18: {  	_ =	swait.ge [sflag:s10], $0x2000  }
0x19: {  	s16 =	simm.s32 $0x6200;
	[sflag:s10] =	ssyncset.done $0x0  }
0x1a: {  	s17 =	simm.s32 $0x5180;
	s18 =	simm.s32 $0x0;
	[sflag:s10] =	ssyncadd.s32 $0xFFFFE000  }
.LBB2_2:
0x1b: {  	p0 =	sne.s32 s18, $0x1000  }
.Ltmp0:
0x1c: {  	_ = 	snop;
	(pc) =	sbr.rel @p0 .LBB2_2-.Ltmp0, $4  }
0x1d: {  	_ = 	snop  }
0x1e: {  	v5 =	vor.u32 s18, v0  }
0x1f: {  	[tilespmem:s17+$0x0] =	vst v5  }
0x20: {  	s18 =	sadd.s32 $0x10, s18;
	s17 =	sadd.s32 $0x10, s17;
	[tilespmem:s16+$0x0] =	vst v1;
	s16 =	sadd.s32 $0x10, s16  }
.Ltmp1:
0x21: {  	(pc) =	sbr.rel .LBB2_4-.Ltmp1, $2  }
0x22: {  	_ =	sdelay $0x2  }
0x23: {  	s17 =	simm.s32 $0x0;
	s16 =	simm.s32 $0x0  }
.LBB2_9:
0x24: {  	s18 =	smov.u32 s17  }
.LBB2_16:
0x25: {  	s16 =	sadd.s32 $0x1, s16  }
0x26: {  	p0 =	sne.s32 s16, $0x1F8  }
.Ltmp2:
0x27: {  	_ = 	snop;
	(pc) =	sbr.rel @!p0 .LBB2_17-.Ltmp2, $2  }
0x28: {  	_ =	sdelay $0x2  }
0x29: {  	s17 =	smov.u32 s18  }
.LBB2_4:
0x2a: {  	s18 =	sshll.u32 s16, $0x4  }
0x2b: {  	v8 =	vld [tilespmem:s18+$0x3100];
	_ =	sdelay $0x4  }
0x2c: {  	v6 =	vand.u32 $0xFFF, v8;
	_ =	sdelay $0x4  }
0x2d: {  	v9 =	vld.idx.msk [tilespmem:v6+s13+$0x0], $0xffff;
	_ =	sdelay $0x4  }
0x2e: {  	vm2 =	vne.s32 v9, v6  }
0x2f: {  	v5 =	vmpcnt.ones.xlane vm2;
	_ =	sdelay $0x1  }
0x30: {  	(v2sf) =	vpush v5, $0x0;
	_ =	sdelay $0xe  }
0x31: {  	s19 =	spop (v2sf)  }
0x32: {  	p0 =	slt.s32 s19, $0x1  }
.Ltmp3:
0x33: {  	_ = 	snop;
	(pc) =	sbr.rel @p0 .LBB2_6-.Ltmp3, $2  }
0x34: {  	_ =	sdelay $0x2  }
0x35: {  	v7 =	vmov v6;
	v5 =	vld [tilespmem:s18+$0x1080]  }
.LBB2_5:
0x36: {  	v7 =	vmov v9;
	v9 =	vld.idx.msk [tilespmem:v9+s13+$0x0], $0xffff;
	_ =	sdelay $0x4  }
0x37: {  	vm2 =	vne.s32 v9, v7  }
0x38: {  	v10 =	vmpcnt.ones.xlane vm2;
	_ =	sdelay $0x1  }
0x39: {  	(v2sf) =	vpush v10, $0x0;
	_ =	sdelay $0xe  }
0x3a: {  	s18 =	spop (v2sf)  }
0x3b: {  	p0 =	sgt.s32 s18, $0x0  }
.Ltmp4:
0x3c: {  	_ = 	snop;
	(pc) =	sbr.rel @p0 .LBB2_5-.Ltmp4, $1  }
0x3d: {  	_ =	sdelay $0x3  }
.LBB2_6:
0x3e: {  	vm2 =	vgt.s32 v8, $0xFFF  }
0x3f: {  	v8 =	vsel vm2, $0x40, v2  }
0x40: {  	v8 =	vadd.s32 v6, v8;
	_ =	sdelay $0x4  }
0x41: {  	v10 =	vld.idx.msk [tilespmem:v8+s13+$0x0], $0xffff;
	_ =	sdelay $0x4  }
0x42: {  	vm2 =	vne.s32 v10, v8  }
0x43: {  	v9 =	vmpcnt.ones.xlane vm2;
	_ =	sdelay $0x1  }
0x44: {  	(v2sf) =	vpush v9, $0x0;
	_ =	sdelay $0xe  }
0x45: {  	s18 =	spop (v2sf)  }
0x46: {  	p0 =	slt.s32 s18, $0x1  }
.Ltmp5:
0x47: {  	_ = 	snop;
	(pc) =	sbr.rel @p0 .LBB2_8-.Ltmp5, $2  }
0x48: {  	_ =	sdelay $0x2  }
0x49: {  	v9 =	vmov v8  }
.LBB2_7:
0x4a: {  	v9 =	vmov v10;
	v10 =	vld.idx.msk [tilespmem:v10+s13+$0x0], $0xffff;
	_ =	sdelay $0x4  }
0x4b: {  	vm2 =	vne.s32 v10, v9  }
0x4c: {  	v11 =	vmpcnt.ones.xlane vm2;
	_ =	sdelay $0x1  }
0x4d: {  	(v2sf) =	vpush v11, $0x0;
	_ =	sdelay $0xe  }
0x4e: {  	s18 =	spop (v2sf)  }
0x4f: {  	p0 =	sgt.s32 s18, $0x0  }
.Ltmp6:
0x50: {  	_ = 	snop;
	(pc) =	sbr.rel @p0 .LBB2_7-.Ltmp6, $1  }
0x51: {  	_ =	sdelay $0x3  }
.LBB2_8:
0x52: {  	vm2 =	vne.s32 v7, v9  }
0x53: {  	v10 =	vmpcnt.ones.xlane vm2;
	_ =	sdelay $0x1  }
0x54: {  	(v2sf) =	vpush v10, $0x0;
	_ =	sdelay $0xe  }
0x55: {  	s18 =	spop (v2sf)  }
0x56: {  	p0 =	slt.s32 s18, $0x1  }
.Ltmp7:
0x57: {  	_ = 	snop;
	(pc) =	sbr.rel @p0 .LBB2_9-.Ltmp7, $3  }
0x58: {  	_ =	sdelay $0x1  }
0x59: {  	[tilespmem:v6+s13+$0x0] =	vst.idx.msk $0xffff, v7  }
0x5a: {  	[tilespmem:v8+s13+$0x0] =	vst.idx.msk $0xffff, v9  }
0x5b: {  	[tilespmem:$0x7280] =	vst v7  }
0x5c: {  	[tilespmem:$0x7300] =	vst v9  }
0x5d: {  	[tilespmem:$0x7380] =	vst v5  }
.LBB2_11:
0x5e: {  	v5 =	vmctz.xlane vm2;
	_ =	sdelay $0x1  }
0x5f: {  	(v2sf) =	vpush v5, $0x0;
	_ =	sdelay $0xe  }
0x60: {  	s18 =	spop (v2sf)  }
0x61: {  	v5 =	vld [tilespmem:s18+$0x7280];
	_ =	sdelay $0x4  }
0x62: {  	(v2sf) =	vpush v5, $0x0;
	_ =	sdelay $0xe  }
0x63: {  	s20 =	spop (v2sf)  }
.LBB2_12:
0x64: {  	v5 =	vld [tilespmem:s20+$0x5180];
	_ =	sdelay $0x4  }
0x65: {  	(v2sf) =	vpush v5, $0x0;
	_ =	sdelay $0xe  }
0x66: {  	s19 =	smov.u32 s20;
	s20 =	spop (v2sf)  }
0x67: {  	p0 =	sne.s32 s20, s19  }
.Ltmp8:
0x68: {  	_ = 	snop;
	(pc) =	sbr.rel @p0 .LBB2_12-.Ltmp8, $1  }
0x69: {  	_ =	sdelay $0x3  }
0x6a: {  	v5 =	vld [tilespmem:s18+$0x7300];
	_ =	sdelay $0x4  }
0x6b: {  	(v2sf) =	vpush v5, $0x0;
	_ =	sdelay $0xe  }
0x6c: {  	s21 =	spop (v2sf)  }
.LBB2_14:
0x6d: {  	v5 =	vld [tilespmem:s21+$0x5180];
	_ =	sdelay $0x4  }
0x6e: {  	(v2sf) =	vpush v5, $0x0;
	_ =	sdelay $0xe  }
0x6f: {  	s20 =	smov.u32 s21;
	s21 =	spop (v2sf)  }
0x70: {  	p0 =	sne.s32 s21, s20  }
.Ltmp9:
0x71: {  	_ = 	snop;
	(pc) =	sbr.rel @p0 .LBB2_14-.Ltmp9, $1  }
0x72: {  	_ =	sdelay $0x3  }
0x73: {  	p0 =	seq.s32 s19, s20  }
0x74: {  	v5 =	vld @!p0 [tilespmem:s19+$0x0]  }
0x75: {  	v6 =	vld @!p0 [tilespmem:s20+$0x0];
	_ =	sdelay $0x3  }
0x76: {  	(v2sf) =	vpush @!p0 v5, $0x0  }
0x77: {  	(v2sf) =	vpush @!p0 v6, $0x0;
	_ =	sdelay $0xd  }
0x78: {  	s21 =	spop @!p0 (v2sf)  }
0x79: {  	s22 =	spop @!p0 (v2sf)  }
0x7a: {  	p1 =	seq.f32 @!p0 s21, s22  }
0x7b: {  	p2 =	slt.s32 @!p0 s19, s20  }
0x7c: {  	p3 =	slt.f32 @!p0 s21, s22;
	p1 =	por @!p0 !p2, !p1  }
0x7d: {  	p1 =	por @!p0 !p1, !p1  }
0x7e: {  	p1 =	por @!p0 p3, p1  }
0x7f: {  	s23 =	smov.u32 s20;
	p1 =	por !p1, p0  }
0x80: {  	s23 =	smov.u32 @p1 s19  }
0x81: {  	v5 =	vmov @!p0 s23  }
0x82: {  	v6 =	vsel vm2, $0x1, v3  }
0x83: {  	(xrf0) =	vadd.scan.msk.s32 $0xffff, v6  }
0x84: {  	s19 =	smov.u32 @p1 s20  }
0x85: {  	v6 =	vmov @!p0 s19;
	s19 =	simm.s32 @!p0 $0x5180  }
0x86: {  	[tilespmem:v5+s19+$0x0] =	vst.idx.msk @!p0 $0x1, v6  }
0x87: {  	v5 =	vld @!p0 [tilespmem:s18+$0x7380];
	_ =	sdelay $0x1  }
0x88: {  	v6, _, _ =	vpop (xrf0)  }
0x89: {  	vm3 =	vne.s32 v6, $0x1  }
0x8a: {  	vm2 =	vmand vm2, vm3  }
0x8b: {  	(v2sf) =	vpush @!p0 v5, $0x0;
	v5 =	vmpcnt.ones.xlane vm2;
	_ =	sdelay $0x1  }
0x8c: {  	(v2sf) =	vpush v5, $0x0;
	_ =	sdelay $0xd  }
0x8d: {  	s18 =	spop @!p0 (v2sf)  }
0x8e: {  	s31 =	spop (v2sf)  }
0x8f: {  	v5 =	vmov @!p0 s17;
	p1 =	sgt.s32 s31, $0x0  }
.Ltmp10:
0x90: {  	s19 =	smax.f32 @!p0 s21, s22;
	(pc) =	sbr.rel @p1 .LBB2_11-.Ltmp10, $4  }
.Ltmp11:
0x91: {  	s19 =	ssub.f32 @!p0 s18, s19;
	(pc) =	sbr.rel @!p1 .LBB2_16-.Ltmp11, $4  }
0x92: {  	s18 =	sadd.s32 @!p0 $0x1, s17  }
0x93: {  	s18 =	smov.u32 @p0 s17;
	v6 =	vmov @!p0 s19;
	s19 =	simm.s32 @!p0 $0x6200  }
0x94: {  	s17 =	smov.u32 s18;
	[tilespmem:v5+s19+$0x0] =	vst.idx.msk @!p0 $0x1, v6  }
0x95: {  	_ = 	snop  }
.LBB2_17:
0x96: {  	s16 =	simm.s32 $0x0  }
0x97: {  	v5 =	vld [tilespmem:s16+$0x6200];
	_ =	sdelay $0x4  }
0x98: {  	(xrf1) =	vsort.ascd.msk.f32 $0xffff, v5, v5;
	_ =	sdelay $0x9  }
0x99: {  	s31 =	simm.s32 $0x10  }
0x9a: {  	v5 =	vld [tilespmem:s31+$0x6200];
	_ =	sdelay $0x2  }
0x9b: {  	v6, _, _ =	vpop (xrf1)  }
0x9c: {  	v6 =	vperm.xlane v6, v4  }
0x9d: {  	v7 =	vimm.f32 $0.0e+00;
	(xrf1) =	vsort.ascd.msk.f32 $0xffff, v5, v5  }
0x9e: {  	v5 =	vmax.f32 v7, v6  }
0x9f: {  	(xrf1) =	vsort.ascd.msk.f32 $0xffff, v5, v5;
	_ =	sdelay $0x7  }
0xa0: {  	s17 =	simm.s32 $0x20;
	s16 =	simm.s32 $0xC0  }
.LBB2_18:
0xa1: {  	p0 =	sne.s32 s16, $0x4000;
	v5 =	vld [tilespmem:s17+$0x6200];
	_ =	sdelay $0x2  }
0xa2: {  	v6, _, _ =	vpop (xrf1)  }
0xa3: {  	v6 =	vperm.xlane v6, v4  }
0xa4: {  	(xrf1) =	vsort.ascd.msk.f32 $0xffff, v5, v5;
	v5, _, _ =	vpop (xrf1)  }
0xa5: {  	v5 =	vmax.f32 v5, v6  }
0xa6: {  	(xrf1) =	vsort.ascd.msk.f32 $0xffff, v5, v5;
	_ =	sdelay $0x3  }
.Ltmp12:
0xa7: {  	(pc) =	sbr.rel @p0 .LBB2_18-.Ltmp12, $2  }
0xa8: {  	_ =	sdelay $0x2  }
0xa9: {  	s17 =	sshra.s32 s16, $0x2;
	s16 =	sadd.s32 $0x40, s16  }
0xaa: {  	v5 =	vld [tilespmem:s17+$0x6200];
	_ =	sdelay $0x2  }
0xab: {  	v6, _, _ =	vpop (xrf1)  }
0xac: {  	v6 =	vperm.xlane v6, v4  }
0xad: {  	(xrf1) =	vsort.ascd.msk.f32 $0xffff, v5, v5;
	v5, _, _ =	vpop (xrf1)  }
0xae: {  	v5 =	vmax.f32 v5, v6  }
0xaf: {  	(xrf1) =	vsort.ascd.msk.f32 $0xffff, v5, v5;
	_ =	sdelay $0xb  }
0xb0: {  	v5, _, _ =	vpop (xrf1)  }
0xb1: {  	v5 =	vperm.xlane v5, v4  }
0xb2: {  	v6, _, _ =	vpop (xrf1)  }
0xb3: {  	v5 =	vmax.f32 v6, v5  }
0xb4: {  	(xrf1) =	vsort.ascd.msk.f32 $0xffff, v5, v5;
	_ =	sdelay $0xd  }
0xb5: {  	v5, _, _ =	vpop (xrf1)  }
0xb6: {  	v5 =	vmul.f32 v5, v5;
	_ =	sdelay $0x1  }
0xb7: {  	v6 =	vsub.f32 $1.000000000e+00, v5  }
0xb8: {  	s15 =	sadd.s32 $0x1, s15;
	v5 =	vsel vm0, $0x0, v5  }
0xb9: {  	p0 =	sne.s32 s15, s7;
	v5 =	vsel vm1, v5, v6  }
.Ltmp13:
0xba: {  	[tilespmem:$0x7400] =	vst v5;
	(pc) =	sbr.rel @p0 .LBB2_1-.Ltmp13, $4  }
0xbb: {  	[hbm4b:s6+s2] =	stream.linear.scatter [tilespmem:s14], [sflag:$0x1], $0x80, $0x38;
	[tilespmem:$0x7480] =	vst v63  }
0xbc: {  	_ =	swait.ge [sflag:s10], $0x80  }
0xbd: {  	[sflag:s10] =	ssyncset.done $0x0  }
0xbe: {  	[sflag:s10] =	ssyncadd.s32 $0xFFFFFF80  }
0xbf: {  	_ =	sfence.sel $0x180000  }
0xc0: {  	[bflag:$0x0] =	sbarrier.arrive $0xFFFF  }
0xc1: {  	p0 =	sne.s32 s1, $0x0;
	_ =	strace $0x90000047  }
0xc2: {  	s0 =	sadd.s32 @!p0 $0x100000, s0;
	[bflag:$0x2] =	sbarrier.arrive $0xFFFF  }
0xc3: {  	[sflag:s0] =	ssyncadd.tile.s32 @!p0 $0x1;
	_ =	shalt  }
.Lfunc_end2:
_tile_overlayer_lowered:
.L_overlay_start_2:
0xc4: {  	(tag) =	ssettag $0x2  }
0xc5: {  	s0 =	rddreg [dreg:$0x0];
	s2 =	stileid.u32  }
0xc6: {  	s1 =	rddreg [dreg:$0x1];
	p0 =	sne.s32 s2, $0x0  }
0xc7: {  	s3 =	rddreg [dreg:$0x2];
	[bflag:$0x3] =	sbarrier.arrive $0xFFFF;
	s2 =	simm.s32 @!p0 $0x1C01  }
0xc8: {  	[timem:s3], [sflag:s2] =	dma.local @!p0 [hbm:s0], s1  }
0xc9: {  	s0 =	simm.s32 @!p0 $0x1  }
0xca: {  	_ =	swait.ge @!p0 [sflag:s0], s1  }
0xcb: {  	s1 =	ssub.s32 @!p0 $0x0, s1;
	[sflag:s0] =	ssyncset.done @!p0 $0x0  }
0xcc: {  	[sflag:s0] =	ssyncadd.s32 @!p0 s1  }
0xcd: {  	[bflag:$0x3] =	sbarrier.arrive $0xFFFF  }
0xce: {  	_ =	shalt  }

</sc_bundles>
